<compile_context>
chip_gen: v7x
topology: tpu7x:2x2x1
jax: 0.10.2.dev20260603
libtpu: 0.0.44.dev20260713+nightly
codegen_flags: <defaults>
</compile_context>

<pallas_src>
import functools

import jax
import jax.numpy as jnp
from jax import lax
from jax.experimental import pallas as pl
from jax.experimental.pallas import tpu as pltpu
from jax.experimental.pallas import tpu_sc as plsc

N = 10000
E = 320000
H = 16
NC = 2
NS = 16
NW = NC * NS
EPW = E // NW
CH = 125
NCH = EPW // CH
NP = 10240
NPW = NP // NS

_mesh = plsc.VectorSubcoreMesh(core_axis_name="c", subcore_axis_name="s")


def _take16(v, ix):
    return lax.gather(
        v, ix[:, None],
        dimension_numbers=lax.GatherDimensionNumbers(
            offset_dims=(), collapsed_slice_dims=(0,), start_index_map=(0,)),
        slice_sizes=(1,),
        mode=lax.GatherScatterMode.PROMISE_IN_BOUNDS)


@functools.partial(
    pl.kernel,
    out_type=jax.ShapeDtypeStruct((NW * N,), jnp.float32),
    mesh=_mesh,
    scratch_types=[
        pltpu.VMEM((N,), jnp.float32),
        pltpu.VMEM((EPW,), jnp.int32),
    ],
    compiler_params=pltpu.CompilerParams(needs_layout_passes=False,
                                         use_tc_tiling_on_sc=False),
)
def _deg_kernel(dst_hbm, zn_hbm, out_hbm, deg_v, idx_v):
    c = lax.axis_index("c")
    s = lax.axis_index("s")
    wid = s * NC + c
    pltpu.sync_copy(zn_hbm, deg_v)
    pltpu.sync_copy(dst_hbm.at[pl.ds(wid * EPW, EPW)], idx_v)
    lanes = lax.iota(jnp.int32, 16)
    prev_ix = jnp.maximum(lanes - 1, 0)
    next_ix = jnp.minimum(lanes + 1, 15)

    def body(i, _):
        idx = idx_v[pl.ds(i * 16, 16)]
        sk = jnp.sort(idx)
        prev = _take16(sk, prev_ix)
        nxt = _take16(sk, next_ix)
        start = (sk != prev) | (lanes == 0)
        islast = (sk != nxt) | (lanes == 15)
        runstart = plsc.cummax(jnp.where(start, lanes, 0))
        cnt = (lanes - runstart + 1).astype(jnp.float32)
        plsc.addupdate_scatter(deg_v, [sk], cnt, mask=islast)
        return _

    lax.fori_loop(0, EPW // 16, body, None)
    pltpu.sync_copy(deg_v, out_hbm.at[pl.ds(wid * N, N)])


@functools.partial(
    pl.kernel,
    out_type=jax.ShapeDtypeStruct((NC, NP, H), jnp.float32),
    mesh=_mesh,
    scratch_types=[
        pltpu.VMEM_SHARED((NP, H), jnp.float32),
        pltpu.VMEM((NCH, CH), jnp.int32),
        pltpu.VMEM((NCH, CH), jnp.int32),
        pltpu.VMEM((2, CH, H), jnp.float32),
        pltpu.SemaphoreType.DMA,
        pltpu.SemaphoreType.DMA,
    ],
    compiler_params=pltpu.CompilerParams(use_tc_tiling_on_sc=False),
)
def _seg_kernel(hws_hbm, src2_hbm, dst2_hbm, znh_hbm, out_hbm,
                acc_sh, sidx_v, didx_v, rows_v, sem0, sem1):
    c = lax.axis_index("c")
    s = lax.axis_index("s")
    wid = s * NC + c

    pltpu.sync_copy(src2_hbm.at[pl.ds(wid * NCH, NCH)], sidx_v)
    pltpu.sync_copy(dst2_hbm.at[pl.ds(wid * NCH, NCH)], didx_v)
    pltpu.sync_copy(znh_hbm.at[pl.ds(s * NPW, NPW)],
                    acc_sh.at[pl.ds(s * NPW, NPW)])

    def _gather(j, buf, sem):
        return pltpu.async_copy(hws_hbm.at[sidx_v.at[j]], rows_v.at[buf], sem)

    def _gwait(j, buf, sem):
        pltpu.make_async_copy(hws_hbm.at[sidx_v.at[j]], rows_v.at[buf], sem).wait()

    def _scatter(j, buf):
        pltpu.sync_copy(rows_v.at[buf], acc_sh.at[didx_v.at[j]], add=True)

    _gather(0, 0, sem0)
    plsc.subcore_barrier()

    def body(k, _):
        j0 = 2 * k
        j1 = 2 * k + 1
        _gather(j1, 1, sem1)
        _gwait(j0, 0, sem0)
        _scatter(j0, 0)
        _gather(j1 + 1, 0, sem0)
        _gwait(j1, 1, sem1)
        _scatter(j1, 1)
        return _

    lax.fori_loop(0, NCH // 2 - 1, body, None)
    _gather(NCH - 1, 1, sem1)
    _gwait(NCH - 2, 0, sem0)
    _scatter(NCH - 2, 0)
    _gwait(NCH - 1, 1, sem1)
    _scatter(NCH - 1, 1)
    plsc.subcore_barrier()
    pltpu.sync_copy(acc_sh.at[pl.ds(s * NPW, NPW)],
                    out_hbm.at[c].at[pl.ds(s * NPW, NPW)])


@functools.partial(
    pl.kernel,
    out_type=jax.ShapeDtypeStruct((E,), jnp.float32),
    mesh=_mesh,
    scratch_types=[
        pltpu.VMEM((N,), jnp.float32),
        pltpu.VMEM((N,), jnp.float32),
        pltpu.VMEM((EPW,), jnp.int32),
        pltpu.VMEM((EPW,), jnp.int32),
        pltpu.VMEM((EPW,), jnp.float32),
        pltpu.VMEM((EPW,), jnp.float32),
    ],
    compiler_params=pltpu.CompilerParams(needs_layout_passes=False,
                                         use_tc_tiling_on_sc=False),
)
def _score_kernel(a_hbm, b_hbm, cc_hbm, sl_hbm, dl_hbm, out_hbm,
                  a_v, b_v, sl_v, dl_v, c_v, o_v):
    c = lax.axis_index("c")
    s = lax.axis_index("s")
    wid = s * NC + c
    base = wid * EPW
    pltpu.sync_copy(a_hbm, a_v)
    pltpu.sync_copy(b_hbm, b_v)
    pltpu.sync_copy(sl_hbm.at[pl.ds(base, EPW)], sl_v)
    pltpu.sync_copy(dl_hbm.at[pl.ds(base, EPW)], dl_v)
    pltpu.sync_copy(cc_hbm.at[pl.ds(base, EPW)], c_v)

    def body(i, _):
        o = i * 16
        va = plsc.load_gather(a_v, [sl_v[pl.ds(o, 16)]])
        vb = plsc.load_gather(b_v, [dl_v[pl.ds(o, 16)]])
        o_v[pl.ds(o, 16)] = va + vb + c_v[pl.ds(o, 16)]
        return _

    lax.fori_loop(0, EPW // 16, body, None)
    pltpu.sync_copy(o_v, out_hbm.at[pl.ds(base, EPW)])


def _lrelu(v):
    return jnp.where(v >= 0, v, 0.01 * v)


def _dot(a, b):
    return jax.lax.dot(a, b, preferred_element_type=jnp.float32)


def _tc1a_body(x_ref, w1_ref, b1_ref, w2_ref, b2_ref, wc1_ref, hw1_ref):
    h = _lrelu(_dot(x_ref[...], w1_ref[...]) + b1_ref[...][None, :])
    h = _lrelu(_dot(h, w2_ref[...]) + b2_ref[...][None, :])
    hw1_ref[...] = _dot(h, wc1_ref[...])


_tc1a = pl.pallas_call(
    _tc1a_body,
    out_shape=jax.ShapeDtypeStruct((N, H), jnp.float32),
)


def _tc1b_body(hw1_ref, degp_ref, hws1_ref, dis_ref):
    deg = jnp.sum(degp_ref[...], axis=0) + 1.0
    dis = lax.rsqrt(deg)
    hws1_ref[pl.ds(0, N), :] = hw1_ref[...] * dis[:, None]
    dis_ref[pl.ds(0, N)] = dis


_tc1b = pl.pallas_call(
    _tc1b_body,
    out_shape=(jax.ShapeDtypeStruct((NP, H), jnp.float32),
               jax.ShapeDtypeStruct((NP,), jnp.float32)),
)


def _tc2_body(t1p_ref, hws1_ref, dis_ref, wc2_ref, bc1_ref, hws2_ref):
    dis = dis_ref[...]
    agg = (t1p_ref[0] + t1p_ref[1] + hws1_ref[...]) * dis[:, None] \
        + bc1_ref[...][None, :]
    h1 = _lrelu(agg)
    hws2_ref[...] = _dot(h1, wc2_ref[...]) * dis[:, None]


_tc2 = pl.pallas_call(
    _tc2_body,
    out_shape=jax.ShapeDtypeStruct((NP, H), jnp.float32),
)


def _tc3_body(t2p_ref, hws2_ref, dis_ref, bc2_ref, wpa_ref, wpb_ref,
              h2_ref, a_ref, bv_ref):
    dis = dis_ref[...]
    agg = (t2p_ref[0] + t2p_ref[1] + hws2_ref[...]) * dis[:, None] \
        + bc2_ref[...][None, :]
    h2 = _lrelu(agg)
    h2_ref[...] = h2[:N, :]
    a_ref[...] = jnp.sum(h2 * wpa_ref[...][None, :], axis=1)[:N]
    bv_ref[...] = jnp.sum(h2 * wpb_ref[...][None, :], axis=1)[:N]


_tc3 = pl.pallas_call(
    _tc3_body,
    out_shape=(jax.ShapeDtypeStruct((N, H), jnp.float32),
               jax.ShapeDtypeStruct((N,), jnp.float32),
               jax.ShapeDtypeStruct((N,), jnp.float32)),
)


def _tc4_body(ea_ref, wpe_ref, bp_ref, c_ref):
    i = pl.program_id(0)
    c_ref[pl.ds(i * _EB, _EB)] = \
        jnp.sum(ea_ref[...] * wpe_ref[...][:, None], axis=0) + bp_ref[0]


_EB = 32000

_tc4 = pl.pallas_call(
    _tc4_body,
    grid=(E // _EB,),
    in_specs=[
        pl.BlockSpec((H, _EB), lambda i: (0, i)),
        pl.BlockSpec((H,), lambda i: (0,)),
        pl.BlockSpec((1,), lambda i: (0,)),
    ],
    out_specs=pl.BlockSpec((E,), lambda i: (0,)),
    out_shape=jax.ShapeDtypeStruct((E,), jnp.float32),
)


def kernel(x, edge_index, edge_label_index, edge_attr,
           W1, b1, W2, b2, Wc1, bc1, Wc2, bc2, Wp, bp):
    src = edge_index[0]
    dst = edge_index[1]
    src2 = src.reshape(E // CH, CH)
    dst2 = dst.reshape(E // CH, CH)
    zn = jnp.zeros((N,), jnp.float32)
    znh = jnp.zeros((NP, H), jnp.float32)
    wp_flat = Wp.reshape(48)
    wpa, wpb, wpe = wp_flat[0:16], wp_flat[16:32], wp_flat[32:48]

    degp = _deg_kernel(dst, zn).reshape(NW, N)
    hw1 = _tc1a(x, W1, b1, W2, b2, Wc1)
    hws1, dis = _tc1b(hw1, degp)
    t1p = _seg_kernel(hws1, src2, dst2, znh)
    hws2 = _tc2(t1p, hws1, dis, Wc2, bc1)
    t2p = _seg_kernel(hws2, src2, dst2, znh)
    h2, a, bv = _tc3(t2p, hws2, dis, bc2, wpa, wpb)
    cvec = _tc4(edge_attr.T, wpe, bp)
    out = _score_kernel(a, bv, cvec, edge_label_index[0], edge_label_index[1])
    return (out, h2)

# --- scband reference (transcript-rebuilt; emitter-appended) ---
"""Pipeline reference for scband-edge-gnn-38654705664133 (READ-ONLY COPY).

The authoritative reference and input builder live on the scoring server;
editing this copy changes nothing except your own understanding.
"""

import jax, jax.numpy as jnp
import numpy as np

N = 10000
E = 320000
D_FEAT = 128
D_EDGE = 16
H = 16
MID = 128


def gcn_conv(h, src, dst, W, b, num_nodes):
    loop = jnp.arange(num_nodes, dtype=src.dtype)
    s = jnp.concatenate([src, loop])
    d = jnp.concatenate([dst, loop])
    deg = jax.ops.segment_sum(jnp.ones(s.shape, dtype=h.dtype), d, num_segments=num_nodes)
    dis = jnp.where(deg > 0, deg ** -0.5, 0.0)
    norm = dis[s] * dis[d]
    hw = h @ W
    msgs = hw[s] * norm[:, None]
    return jax.ops.segment_sum(msgs, d, num_segments=num_nodes) + b


def setup_inputs(seed: int = 0) -> dict:
    key = jax.random.key(seed)
    ks = jax.random.split(key, 16)
    x = jax.random.normal(ks[0], (N, D_FEAT), dtype=jnp.float32)
    edge_index = jax.random.randint(ks[1], (2, E), 0, N)
    edge_label_index = jax.random.randint(ks[2], (2, E), 0, N)
    edge_attr = jax.random.normal(ks[3], (E, D_EDGE), dtype=jnp.float32)
    def lin(k, fan_in, fan_out):
        s = 1.0 / np.sqrt(fan_in)
        kw, kb = jax.random.split(k)
        W = jax.random.uniform(kw, (fan_in, fan_out), minval=-s, maxval=s, dtype=jnp.float32)
        b = jax.random.uniform(kb, (fan_out,), minval=-s, maxval=s, dtype=jnp.float32)
        return W, b
    W1, b1 = lin(ks[4], D_FEAT, MID)
    W2, b2 = lin(ks[5], MID, H)
    Wc1, bc1 = lin(ks[6], H, H)
    Wc2, bc2 = lin(ks[7], H, H)
    Wp, bp = lin(ks[8], 2 * H + D_EDGE, 1)
    return {"x": x, "edge_index": edge_index, "edge_label_index": edge_label_index, "edge_attr": edge_attr,
            "W1": W1, "b1": b1, "W2": W2, "b2": b2, "Wc1": Wc1, "bc1": bc1, "Wc2": Wc2, "bc2": bc2,
            "Wp": Wp, "bp": bp}


def reference(x, edge_index, edge_label_index, edge_attr, W1, b1, W2, b2, Wc1, bc1, Wc2, bc2, Wp, bp):
    h = jax.nn.leaky_relu(x @ W1 + b1, negative_slope=0.01)
    h = jax.nn.leaky_relu(h @ W2 + b2, negative_slope=0.01)
    src, dst = edge_index[0], edge_index[1]
    h = jax.nn.leaky_relu(gcn_conv(h, src, dst, Wc1, bc1, N), negative_slope=0.01)
    h = jax.nn.leaky_relu(gcn_conv(h, src, dst, Wc2, bc2, N), negative_slope=0.01)
    h_src = h[edge_label_index[0]]
    h_dst = h[edge_label_index[1]]
    combined = jnp.concatenate([h_src, h_dst, edge_attr], axis=1)
    out = (combined @ Wp + bp).reshape(-1)
    return (out, h)

if __name__ == "__main__":
    import jax
    _d = setup_inputs()
    print(jax.jit(kernel)(*tuple(_d.values())))

</pallas_src>

<mosaic_0001>
#map = affine_map<(d0, d1) -> (0, 0)>
#map1 = affine_map<(d0, d1) -> (0, 0, 0)>
module attributes {stable_mosaic.version = 14 : i64} {
  func.func @_seg_kernel(%arg0: i32, %arg1: i32, %arg2: memref<10240x16xf32, #tpu.memory_space<hbm>>, %arg3: memref<2560x125xi32, #tpu.memory_space<hbm>>, %arg4: memref<2560x125xi32, #tpu.memory_space<hbm>>, %arg5: memref<10240x16xf32, #tpu.memory_space<hbm>>, %arg6: memref<2x10240x16xf32, #tpu.memory_space<hbm>>, %arg7: memref<10240x16xf32, #tpu.memory_space<vmem_shared>>, %arg8: memref<80x125xi32, #tpu.memory_space<vmem>>, %arg9: memref<80x125xi32, #tpu.memory_space<vmem>>, %arg10: memref<2x125x16xf32, #tpu.memory_space<vmem>>, %arg11: memref<!tpu.dma_semaphore, #tpu.memory_space<semaphore_mem>>, %arg12: memref<!tpu.dma_semaphore, #tpu.memory_space<semaphore_mem>>) attributes {dimension_semantics = [#tpu.dimension_semantics<core_parallel>, #tpu.dimension_semantics<subcore_parallel>], iteration_bounds = array<i64: 2, 16>, scalar_prefetch = 0 : i64, scratch_operands = 6 : i64, tpu.core_type = #tpu.core_type<sc_vector_subcore>, window_params = [{transform_indices = #map}, {transform_indices = #map}, {transform_indices = #map}, {transform_indices = #map}, {transform_indices = #map1}]} {
    %mul3A = arith.constant 2 : i32
    %mul3A_0 = arith.muli %arg1, %mul3A : i32
    %add3A = arith.addi %mul3A_0, %arg0 : i32
    %mul3A_1 = arith.constant 80 : i32
    %mul3A_2 = arith.muli %add3A, %mul3A_1 : i32
    "tpu.region"() ({
      %run_scoped3A_67 = tpu.sem_alloc : memref<!tpu.dma_semaphore, #tpu.memory_space<semaphore_mem>>
      %dma_start3A_68 = arith.constant 0 : i32
      %dma_start3A_69 = tpu.memref_slice %arg3[%mul3A_2, %dma_start3A_68] : memref<2560x125xi32, #tpu.memory_space<hbm>> -> memref<80x125xi32, #tpu.memory_space<hbm>>
      %dma_start3A_70 = arith.constant 0 : i32
      %dma_start3A_71 = tpu.memref_slice %arg3[%mul3A_2, %dma_start3A_70] : memref<2560x125xi32, #tpu.memory_space<hbm>> -> memref<80x125xi32, #tpu.memory_space<hbm>>
      tpu.enqueue_dma source(%dma_start3A_71 : memref<80x125xi32, #tpu.memory_space<hbm>>) target(%arg8 : memref<80x125xi32, #tpu.memory_space<vmem>>) target_semaphore(%run_scoped3A_67 : memref<!tpu.dma_semaphore, #tpu.memory_space<semaphore_mem>>)
      %dma_wait3A_72 = arith.constant 0 : i32
      %dma_wait3A_73 = tpu.memref_slice %arg3[%mul3A_2, %dma_wait3A_72] : memref<2560x125xi32, #tpu.memory_space<hbm>> -> memref<80x125xi32, #tpu.memory_space<hbm>>
      %dma_wait3A_74 = arith.constant 0 : i32
      %dma_wait3A_75 = tpu.memref_slice %arg3[%mul3A_2, %dma_wait3A_74] : memref<2560x125xi32, #tpu.memory_space<hbm>> -> memref<80x125xi32, #tpu.memory_space<hbm>>
      tpu.wait_dma2 semaphore(%run_scoped3A_67 : memref<!tpu.dma_semaphore, #tpu.memory_space<semaphore_mem>>) src(%dma_wait3A_75 : memref<80x125xi32, #tpu.memory_space<hbm>>) dst(%arg8 : memref<80x125xi32, #tpu.memory_space<vmem>>)
      tpu.yield
    }) : () -> ()
    %mul3A_3 = arith.constant 80 : i32
    %mul3A_4 = arith.muli %add3A, %mul3A_3 : i32
    "tpu.region"() ({
      %run_scoped3A_67 = tpu.sem_alloc : memref<!tpu.dma_semaphore, #tpu.memory_space<semaphore_mem>>
      %dma_start3A_68 = arith.constant 0 : i32
      %dma_start3A_69 = tpu.memref_slice %arg4[%mul3A_4, %dma_start3A_68] : memref<2560x125xi32, #tpu.memory_space<hbm>> -> memref<80x125xi32, #tpu.memory_space<hbm>>
      %dma_start3A_70 = arith.constant 0 : i32
      %dma_start3A_71 = tpu.memref_slice %arg4[%mul3A_4, %dma_start3A_70] : memref<2560x125xi32, #tpu.memory_space<hbm>> -> memref<80x125xi32, #tpu.memory_space<hbm>>
      tpu.enqueue_dma source(%dma_start3A_71 : memref<80x125xi32, #tpu.memory_space<hbm>>) target(%arg9 : memref<80x125xi32, #tpu.memory_space<vmem>>) target_semaphore(%run_scoped3A_67 : memref<!tpu.dma_semaphore, #tpu.memory_space<semaphore_mem>>)
      %dma_wait3A_72 = arith.constant 0 : i32
      %dma_wait3A_73 = tpu.memref_slice %arg4[%mul3A_4, %dma_wait3A_72] : memref<2560x125xi32, #tpu.memory_space<hbm>> -> memref<80x125xi32, #tpu.memory_space<hbm>>
      %dma_wait3A_74 = arith.constant 0 : i32
      %dma_wait3A_75 = tpu.memref_slice %arg4[%mul3A_4, %dma_wait3A_74] : memref<2560x125xi32, #tpu.memory_space<hbm>> -> memref<80x125xi32, #tpu.memory_space<hbm>>
      tpu.wait_dma2 semaphore(%run_scoped3A_67 : memref<!tpu.dma_semaphore, #tpu.memory_space<semaphore_mem>>) src(%dma_wait3A_75 : memref<80x125xi32, #tpu.memory_space<hbm>>) dst(%arg9 : memref<80x125xi32, #tpu.memory_space<vmem>>)
      tpu.yield
    }) : () -> ()
    %mul3A_5 = arith.constant 640 : i32
    %mul3A_6 = arith.muli %arg1, %mul3A_5 : i32
    %mul3A_7 = arith.constant 640 : i32
    %mul3A_8 = arith.muli %arg1, %mul3A_7 : i32
    "tpu.region"() ({
      %run_scoped3A_67 = tpu.sem_alloc : memref<!tpu.dma_semaphore, #tpu.memory_space<semaphore_mem>>
      %dma_start3A_68 = arith.constant 0 : i32
      %dma_start3A_69 = tpu.memref_slice %arg7[%mul3A_8, %dma_start3A_68] : memref<10240x16xf32, #tpu.memory_space<vmem_shared>> -> memref<640x16xf32, #tpu.memory_space<vmem_shared>>
      %dma_start3A_70 = arith.constant 0 : i32
      %dma_start3A_71 = tpu.memref_slice %arg5[%mul3A_6, %dma_start3A_70] : memref<10240x16xf32, #tpu.memory_space<hbm>> -> memref<640x16xf32, #tpu.memory_space<hbm>>
      tpu.enqueue_dma source(%dma_start3A_71 : memref<640x16xf32, #tpu.memory_space<hbm>>) target(%dma_start3A_69 : memref<640x16xf32, #tpu.memory_space<vmem_shared>>) target_semaphore(%run_scoped3A_67 : memref<!tpu.dma_semaphore, #tpu.memory_space<semaphore_mem>>)
      %dma_wait3A_72 = arith.constant 0 : i32
      %dma_wait3A_73 = tpu.memref_slice %arg7[%mul3A_8, %dma_wait3A_72] : memref<10240x16xf32, #tpu.memory_space<vmem_shared>> -> memref<640x16xf32, #tpu.memory_space<vmem_shared>>
      %dma_wait3A_74 = arith.constant 0 : i32
      %dma_wait3A_75 = tpu.memref_slice %arg5[%mul3A_6, %dma_wait3A_74] : memref<10240x16xf32, #tpu.memory_space<hbm>> -> memref<640x16xf32, #tpu.memory_space<hbm>>
      tpu.wait_dma2 semaphore(%run_scoped3A_67 : memref<!tpu.dma_semaphore, #tpu.memory_space<semaphore_mem>>) src(%dma_wait3A_75 : memref<640x16xf32, #tpu.memory_space<hbm>>) dst(%dma_wait3A_73 : memref<640x16xf32, #tpu.memory_space<vmem_shared>>)
      tpu.yield
    }) : () -> ()
    %dma_start3A = arith.constant 0 : i32
    %dma_start3A_9 = arith.constant 0 : i32
    %dma_start3A_10 = arith.constant 0 : i32
    %dma_start3A_11 = arith.constant 0 : i32
    %dma_start3A_12 = tpu.memref_slice %arg10[%dma_start3A_9, %dma_start3A_10, %dma_start3A_11] : memref<2x125x16xf32, #tpu.memory_space<vmem>> -> memref<1x125x16xf32, #tpu.memory_space<vmem>>
    %dma_start3A_13 = tpu.memref_squeeze %dma_start3A_12 : memref<1x125x16xf32, #tpu.memory_space<vmem>> -> memref<125x16xf32, #tpu.memory_space<vmem>>
    %dma_start3A_14 = arith.constant 0 : i32
    %dma_start3A_15 = tpu.memref_slice %arg8[%dma_start3A, %dma_start3A_14] : memref<80x125xi32, #tpu.memory_space<vmem>> -> memref<1x125xi32, #tpu.memory_space<vmem>>
    %dma_start3A_16 = tpu.memref_squeeze %dma_start3A_15 : memref<1x125xi32, #tpu.memory_space<vmem>> -> memref<125xi32, #tpu.memory_space<vmem>>
    %dma_start3A_17 = arith.constant 0 : i32
    %dma_start3A_18 = arith.constant 0 : i32
    %dma_start3A_19 = tpu.memref_slice %arg2[%dma_start3A_17, %dma_start3A_18] : memref<10240x16xf32, #tpu.memory_space<hbm>> -> memref<10240x16xf32, #tpu.memory_space<hbm>>
    tpu.enqueue_indirect_dma source(%dma_start3A_19 : memref<10240x16xf32, #tpu.memory_space<hbm>>) target(%dma_start3A_13 : memref<125x16xf32, #tpu.memory_space<vmem>>) offsets(%dma_start3A_16 : memref<125xi32, #tpu.memory_space<vmem>>) semaphore(%arg11 : memref<!tpu.dma_semaphore, #tpu.memory_space<semaphore_mem>>)
    %barrier3A = arith.constant 0 : index
    tpu.barrier barrier_id(%barrier3A)
    %scan3A = arith.constant 0 : i32
    %scan3A_20 = arith.constant 39 : i32
    %scan3A_21 = arith.addi %scan3A, %scan3A_20 : i32
    %scan3A_22 = arith.constant 1 : i32
    scf.for %scan3A_67 = %scan3A to %scan3A_21 step %scan3A_22  : i32 {
      %mul3A_68 = arith.constant 2 : i32
      %mul3A_69 = arith.muli %mul3A_68, %scan3A_67 : i32
      %mul3A_70 = arith.constant 2 : i32
      %mul3A_71 = arith.muli %mul3A_70, %scan3A_67 : i32
      %add3A_72 = arith.constant 1 : i32
      %add3A_73 = arith.addi %mul3A_71, %add3A_72 : i32
      %dma_start3A_74 = arith.constant 1 : i32
      %dma_start3A_75 = arith.constant 0 : i32
      %dma_start3A_76 = arith.constant 0 : i32
      %dma_start3A_77 = tpu.memref_slice %arg10[%dma_start3A_74, %dma_start3A_75, %dma_start3A_76] : memref<2x125x16xf32, #tpu.memory_space<vmem>> -> memref<1x125x16xf32, #tpu.memory_space<vmem>>
      %dma_start3A_78 = tpu.memref_squeeze %dma_start3A_77 : memref<1x125x16xf32, #tpu.memory_space<vmem>> -> memref<125x16xf32, #tpu.memory_space<vmem>>
      %dma_start3A_79 = arith.constant 0 : i32
      %dma_start3A_80 = tpu.memref_slice %arg8[%add3A_73, %dma_start3A_79] : memref<80x125xi32, #tpu.memory_space<vmem>> -> memref<1x125xi32, #tpu.memory_space<vmem>>
      %dma_start3A_81 = tpu.memref_squeeze %dma_start3A_80 : memref<1x125xi32, #tpu.memory_space<vmem>> -> memref<125xi32, #tpu.memory_space<vmem>>
      %dma_start3A_82 = arith.constant 0 : i32
      %dma_start3A_83 = arith.constant 0 : i32
      %dma_start3A_84 = tpu.memref_slice %arg2[%dma_start3A_82, %dma_start3A_83] : memref<10240x16xf32, #tpu.memory_space<hbm>> -> memref<10240x16xf32, #tpu.memory_space<hbm>>
      tpu.enqueue_indirect_dma source(%dma_start3A_84 : memref<10240x16xf32, #tpu.memory_space<hbm>>) target(%dma_start3A_78 : memref<125x16xf32, #tpu.memory_space<vmem>>) offsets(%dma_start3A_81 : memref<125xi32, #tpu.memory_space<vmem>>) semaphore(%arg12 : memref<!tpu.dma_semaphore, #tpu.memory_space<semaphore_mem>>)
      %dma_wait3A_85 = arith.constant 0 : i32
      %dma_wait3A_86 = arith.constant 0 : i32
      %dma_wait3A_87 = arith.constant 0 : i32
      %dma_wait3A_88 = tpu.memref_slice %arg10[%dma_wait3A_85, %dma_wait3A_86, %dma_wait3A_87] : memref<2x125x16xf32, #tpu.memory_space<vmem>> -> memref<1x125x16xf32, #tpu.memory_space<vmem>>
      %dma_wait3A_89 = tpu.memref_squeeze %dma_wait3A_88 : memref<1x125x16xf32, #tpu.memory_space<vmem>> -> memref<125x16xf32, #tpu.memory_space<vmem>>
      %dma_wait3A_90 = arith.constant 0 : i32
      %dma_wait3A_91 = tpu.memref_slice %arg8[%mul3A_69, %dma_wait3A_90] : memref<80x125xi32, #tpu.memory_space<vmem>> -> memref<1x125xi32, #tpu.memory_space<vmem>>
      %dma_wait3A_92 = tpu.memref_squeeze %dma_wait3A_91 : memref<1x125xi32, #tpu.memory_space<vmem>> -> memref<125xi32, #tpu.memory_space<vmem>>
      %dma_wait3A_93 = arith.constant 0 : i32
      %dma_wait3A_94 = arith.constant 0 : i32
      %dma_wait3A_95 = tpu.memref_slice %arg2[%dma_wait3A_93, %dma_wait3A_94] : memref<10240x16xf32, #tpu.memory_space<hbm>> -> memref<10240x16xf32, #tpu.memory_space<hbm>>
      tpu.wait_indirect_dma semaphore(%arg11 : memref<!tpu.dma_semaphore, #tpu.memory_space<semaphore_mem>>) src(%dma_wait3A_95 : memref<10240x16xf32, #tpu.memory_space<hbm>>) dst(%dma_wait3A_89 : memref<125x16xf32, #tpu.memory_space<vmem>>)
      %run_scoped3A_96 = arith.constant 0 : i32
      "tpu.region"() ({
        %run_scoped3A_122 = tpu.sem_alloc : memref<!tpu.dma_semaphore, #tpu.memory_space<semaphore_mem>>
        %dma_start3A_123 = arith.constant 0 : i32
        %dma_start3A_124 = arith.constant 0 : i32
        %dma_start3A_125 = tpu.memref_slice %arg10[%run_scoped3A_96, %dma_start3A_123, %dma_start3A_124] : memref<2x125x16xf32, #tpu.memory_space<vmem>> -> memref<1x125x16xf32, #tpu.memory_space<vmem>>
        %dma_start3A_126 = tpu.memref_squeeze %dma_start3A_125 : memref<1x125x16xf32, #tpu.memory_space<vmem>> -> memref<125x16xf32, #tpu.memory_space<vmem>>
        %dma_start3A_127 = arith.constant 0 : i32
        %dma_start3A_128 = tpu.memref_slice %arg9[%mul3A_69, %dma_start3A_127] : memref<80x125xi32, #tpu.memory_space<vmem>> -> memref<1x125xi32, #tpu.memory_space<vmem>>
        %dma_start3A_129 = tpu.memref_squeeze %dma_start3A_128 : memref<1x125xi32, #tpu.memory_space<vmem>> -> memref<125xi32, #tpu.memory_space<vmem>>
        %dma_start3A_130 = arith.constant 0 : i32
        %dma_start3A_131 = arith.constant 0 : i32
        %dma_start3A_132 = tpu.memref_slice %arg7[%dma_start3A_130, %dma_start3A_131] : memref<10240x16xf32, #tpu.memory_space<vmem_shared>> -> memref<10240x16xf32, #tpu.memory_space<vmem_shared>>
        tpu.enqueue_indirect_dma source(%dma_start3A_126 : memref<125x16xf32, #tpu.memory_space<vmem>>) target(%dma_start3A_132 : memref<10240x16xf32, #tpu.memory_space<vmem_shared>>) offsets(%dma_start3A_129 : memref<125xi32, #tpu.memory_space<vmem>>) semaphore(%run_scoped3A_122 : memref<!tpu.dma_semaphore, #tpu.memory_space<semaphore_mem>>) {add = true}
        %dma_wait3A_133 = arith.constant 0 : i32
        %dma_wait3A_134 = arith.constant 0 : i32
        %dma_wait3A_135 = tpu.memref_slice %arg10[%run_scoped3A_96, %dma_wait3A_133, %dma_wait3A_134] : memref<2x125x16xf32, #tpu.memory_space<vmem>> -> memref<1x125x16xf32, #tpu.memory_space<vmem>>
        %dma_wait3A_136 = tpu.memref_squeeze %dma_wait3A_135 : memref<1x125x16xf32, #tpu.memory_space<vmem>> -> memref<125x16xf32, #tpu.memory_space<vmem>>
        %dma_wait3A_137 = arith.constant 0 : i32
        %dma_wait3A_138 = tpu.memref_slice %arg9[%mul3A_69, %dma_wait3A_137] : memref<80x125xi32, #tpu.memory_space<vmem>> -> memref<1x125xi32, #tpu.memory_space<vmem>>
        %dma_wait3A_139 = tpu.memref_squeeze %dma_wait3A_138 : memref<1x125xi32, #tpu.memory_space<vmem>> -> memref<125xi32, #tpu.memory_space<vmem>>
        %dma_wait3A_140 = arith.constant 0 : i32
        %dma_wait3A_141 = arith.constant 0 : i32
        %dma_wait3A_142 = tpu.memref_slice %arg7[%dma_wait3A_140, %dma_wait3A_141] : memref<10240x16xf32, #tpu.memory_space<vmem_shared>> -> memref<10240x16xf32, #tpu.memory_space<vmem_shared>>
        tpu.wait_indirect_dma semaphore(%run_scoped3A_122 : memref<!tpu.dma_semaphore, #tpu.memory_space<semaphore_mem>>) src(%dma_wait3A_136 : memref<125x16xf32, #tpu.memory_space<vmem>>) dst(%dma_wait3A_142 : memref<10240x16xf32, #tpu.memory_space<vmem_shared>>)
        tpu.yield
      }) : () -> ()
      %add3A_97 = arith.constant 1 : i32
      %add3A_98 = arith.addi %add3A_73, %add3A_97 : i32
      %dma_start3A_99 = arith.constant 0 : i32
      %dma_start3A_100 = arith.constant 0 : i32
      %dma_start3A_101 = arith.constant 0 : i32
      %dma_start3A_102 = tpu.memref_slice %arg10[%dma_start3A_99, %dma_start3A_100, %dma_start3A_101] : memref<2x125x16xf32, #tpu.memory_space<vmem>> -> memref<1x125x16xf32, #tpu.memory_space<vmem>>
      %dma_start3A_103 = tpu.memref_squeeze %dma_start3A_102 : memref<1x125x16xf32, #tpu.memory_space<vmem>> -> memref<125x16xf32, #tpu.memory_space<vmem>>
      %dma_start3A_104 = arith.constant 0 : i32
      %dma_start3A_105 = tpu.memref_slice %arg8[%add3A_98, %dma_start3A_104] : memref<80x125xi32, #tpu.memory_space<vmem>> -> memref<1x125xi32, #tpu.memory_space<vmem>>
      %dma_start3A_106 = tpu.memref_squeeze %dma_start3A_105 : memref<1x125xi32, #tpu.memory_space<vmem>> -> memref<125xi32, #tpu.memory_space<vmem>>
      %dma_start3A_107 = arith.constant 0 : i32
      %dma_start3A_108 = arith.constant 0 : i32
      %dma_start3A_109 = tpu.memref_slice %arg2[%dma_start3A_107, %dma_start3A_108] : memref<10240x16xf32, #tpu.memory_space<hbm>> -> memref<10240x16xf32, #tpu.memory_space<hbm>>
      tpu.enqueue_indirect_dma source(%dma_start3A_109 : memref<10240x16xf32, #tpu.memory_space<hbm>>) target(%dma_start3A_103 : memref<125x16xf32, #tpu.memory_space<vmem>>) offsets(%dma_start3A_106 : memref<125xi32, #tpu.memory_space<vmem>>) semaphore(%arg11 : memref<!tpu.dma_semaphore, #tpu.memory_space<semaphore_mem>>)
      %dma_wait3A_110 = arith.constant 1 : i32
      %dma_wait3A_111 = arith.constant 0 : i32
      %dma_wait3A_112 = arith.constant 0 : i32
      %dma_wait3A_113 = tpu.memref_slice %arg10[%dma_wait3A_110, %dma_wait3A_111, %dma_wait3A_112] : memref<2x125x16xf32, #tpu.memory_space<vmem>> -> memref<1x125x16xf32, #tpu.memory_space<vmem>>
      %dma_wait3A_114 = tpu.memref_squeeze %dma_wait3A_113 : memref<1x125x16xf32, #tpu.memory_space<vmem>> -> memref<125x16xf32, #tpu.memory_space<vmem>>
      %dma_wait3A_115 = arith.constant 0 : i32
      %dma_wait3A_116 = tpu.memref_slice %arg8[%add3A_73, %dma_wait3A_115] : memref<80x125xi32, #tpu.memory_space<vmem>> -> memref<1x125xi32, #tpu.memory_space<vmem>>
      %dma_wait3A_117 = tpu.memref_squeeze %dma_wait3A_116 : memref<1x125xi32, #tpu.memory_space<vmem>> -> memref<125xi32, #tpu.memory_space<vmem>>
      %dma_wait3A_118 = arith.constant 0 : i32
      %dma_wait3A_119 = arith.constant 0 : i32
      %dma_wait3A_120 = tpu.memref_slice %arg2[%dma_wait3A_118, %dma_wait3A_119] : memref<10240x16xf32, #tpu.memory_space<hbm>> -> memref<10240x16xf32, #tpu.memory_space<hbm>>
      tpu.wait_indirect_dma semaphore(%arg12 : memref<!tpu.dma_semaphore, #tpu.memory_space<semaphore_mem>>) src(%dma_wait3A_120 : memref<10240x16xf32, #tpu.memory_space<hbm>>) dst(%dma_wait3A_114 : memref<125x16xf32, #tpu.memory_space<vmem>>)
      %run_scoped3A_121 = arith.constant 1 : i32
      "tpu.region"() ({
        %run_scoped3A_122 = tpu.sem_alloc : memref<!tpu.dma_semaphore, #tpu.memory_space<semaphore_mem>>
        %dma_start3A_123 = arith.constant 0 : i32
        %dma_start3A_124 = arith.constant 0 : i32
        %dma_start3A_125 = tpu.memref_slice %arg10[%run_scoped3A_121, %dma_start3A_123, %dma_start3A_124] : memref<2x125x16xf32, #tpu.memory_space<vmem>> -> memref<1x125x16xf32, #tpu.memory_space<vmem>>
        %dma_start3A_126 = tpu.memref_squeeze %dma_start3A_125 : memref<1x125x16xf32, #tpu.memory_space<vmem>> -> memref<125x16xf32, #tpu.memory_space<vmem>>
        %dma_start3A_127 = arith.constant 0 : i32
        %dma_start3A_128 = tpu.memref_slice %arg9[%add3A_73, %dma_start3A_127] : memref<80x125xi32, #tpu.memory_space<vmem>> -> memref<1x125xi32, #tpu.memory_space<vmem>>
        %dma_start3A_129 = tpu.memref_squeeze %dma_start3A_128 : memref<1x125xi32, #tpu.memory_space<vmem>> -> memref<125xi32, #tpu.memory_space<vmem>>
        %dma_start3A_130 = arith.constant 0 : i32
        %dma_start3A_131 = arith.constant 0 : i32
        %dma_start3A_132 = tpu.memref_slice %arg7[%dma_start3A_130, %dma_start3A_131] : memref<10240x16xf32, #tpu.memory_space<vmem_shared>> -> memref<10240x16xf32, #tpu.memory_space<vmem_shared>>
        tpu.enqueue_indirect_dma source(%dma_start3A_126 : memref<125x16xf32, #tpu.memory_space<vmem>>) target(%dma_start3A_132 : memref<10240x16xf32, #tpu.memory_space<vmem_shared>>) offsets(%dma_start3A_129 : memref<125xi32, #tpu.memory_space<vmem>>) semaphore(%run_scoped3A_122 : memref<!tpu.dma_semaphore, #tpu.memory_space<semaphore_mem>>) {add = true}
        %dma_wait3A_133 = arith.constant 0 : i32
        %dma_wait3A_134 = arith.constant 0 : i32
        %dma_wait3A_135 = tpu.memref_slice %arg10[%run_scoped3A_121, %dma_wait3A_133, %dma_wait3A_134] : memref<2x125x16xf32, #tpu.memory_space<vmem>> -> memref<1x125x16xf32, #tpu.memory_space<vmem>>
        %dma_wait3A_136 = tpu.memref_squeeze %dma_wait3A_135 : memref<1x125x16xf32, #tpu.memory_space<vmem>> -> memref<125x16xf32, #tpu.memory_space<vmem>>
        %dma_wait3A_137 = arith.constant 0 : i32
        %dma_wait3A_138 = tpu.memref_slice %arg9[%add3A_73, %dma_wait3A_137] : memref<80x125xi32, #tpu.memory_space<vmem>> -> memref<1x125xi32, #tpu.memory_space<vmem>>
        %dma_wait3A_139 = tpu.memref_squeeze %dma_wait3A_138 : memref<1x125xi32, #tpu.memory_space<vmem>> -> memref<125xi32, #tpu.memory_space<vmem>>
        %dma_wait3A_140 = arith.constant 0 : i32
        %dma_wait3A_141 = arith.constant 0 : i32
        %dma_wait3A_142 = tpu.memref_slice %arg7[%dma_wait3A_140, %dma_wait3A_141] : memref<10240x16xf32, #tpu.memory_space<vmem_shared>> -> memref<10240x16xf32, #tpu.memory_space<vmem_shared>>
        tpu.wait_indirect_dma semaphore(%run_scoped3A_122 : memref<!tpu.dma_semaphore, #tpu.memory_space<semaphore_mem>>) src(%dma_wait3A_136 : memref<125x16xf32, #tpu.memory_space<vmem>>) dst(%dma_wait3A_142 : memref<10240x16xf32, #tpu.memory_space<vmem_shared>>)
        tpu.yield
      }) : () -> ()
    }
    %scan3A_23 = arith.constant 39 : i32
    %dma_start3A_24 = arith.constant 79 : i32
    %dma_start3A_25 = arith.constant 1 : i32
    %dma_start3A_26 = arith.constant 0 : i32
    %dma_start3A_27 = arith.constant 0 : i32
    %dma_start3A_28 = tpu.memref_slice %arg10[%dma_start3A_25, %dma_start3A_26, %dma_start3A_27] : memref<2x125x16xf32, #tpu.memory_space<vmem>> -> memref<1x125x16xf32, #tpu.memory_space<vmem>>
    %dma_start3A_29 = tpu.memref_squeeze %dma_start3A_28 : memref<1x125x16xf32, #tpu.memory_space<vmem>> -> memref<125x16xf32, #tpu.memory_space<vmem>>
    %dma_start3A_30 = arith.constant 0 : i32
    %dma_start3A_31 = tpu.memref_slice %arg8[%dma_start3A_24, %dma_start3A_30] : memref<80x125xi32, #tpu.memory_space<vmem>> -> memref<1x125xi32, #tpu.memory_space<vmem>>
    %dma_start3A_32 = tpu.memref_squeeze %dma_start3A_31 : memref<1x125xi32, #tpu.memory_space<vmem>> -> memref<125xi32, #tpu.memory_space<vmem>>
    %dma_start3A_33 = arith.constant 0 : i32
    %dma_start3A_34 = arith.constant 0 : i32
    %dma_start3A_35 = tpu.memref_slice %arg2[%dma_start3A_33, %dma_start3A_34] : memref<10240x16xf32, #tpu.memory_space<hbm>> -> memref<10240x16xf32, #tpu.memory_space<hbm>>
    tpu.enqueue_indirect_dma source(%dma_start3A_35 : memref<10240x16xf32, #tpu.memory_space<hbm>>) target(%dma_start3A_29 : memref<125x16xf32, #tpu.memory_space<vmem>>) offsets(%dma_start3A_32 : memref<125xi32, #tpu.memory_space<vmem>>) semaphore(%arg12 : memref<!tpu.dma_semaphore, #tpu.memory_space<semaphore_mem>>)
    %dma_wait3A = arith.constant 78 : i32
    %dma_wait3A_36 = arith.constant 0 : i32
    %dma_wait3A_37 = arith.constant 0 : i32
    %dma_wait3A_38 = arith.constant 0 : i32
    %dma_wait3A_39 = tpu.memref_slice %arg10[%dma_wait3A_36, %dma_wait3A_37, %dma_wait3A_38] : memref<2x125x16xf32, #tpu.memory_space<vmem>> -> memref<1x125x16xf32, #tpu.memory_space<vmem>>
    %dma_wait3A_40 = tpu.memref_squeeze %dma_wait3A_39 : memref<1x125x16xf32, #tpu.memory_space<vmem>> -> memref<125x16xf32, #tpu.memory_space<vmem>>
    %dma_wait3A_41 = arith.constant 0 : i32
    %dma_wait3A_42 = tpu.memref_slice %arg8[%dma_wait3A, %dma_wait3A_41] : memref<80x125xi32, #tpu.memory_space<vmem>> -> memref<1x125xi32, #tpu.memory_space<vmem>>
    %dma_wait3A_43 = tpu.memref_squeeze %dma_wait3A_42 : memref<1x125xi32, #tpu.memory_space<vmem>> -> memref<125xi32, #tpu.memory_space<vmem>>
    %dma_wait3A_44 = arith.constant 0 : i32
    %dma_wait3A_45 = arith.constant 0 : i32
    %dma_wait3A_46 = tpu.memref_slice %arg2[%dma_wait3A_44, %dma_wait3A_45] : memref<10240x16xf32, #tpu.memory_space<hbm>> -> memref<10240x16xf32, #tpu.memory_space<hbm>>
    tpu.wait_indirect_dma semaphore(%arg11 : memref<!tpu.dma_semaphore, #tpu.memory_space<semaphore_mem>>) src(%dma_wait3A_46 : memref<10240x16xf32, #tpu.memory_space<hbm>>) dst(%dma_wait3A_40 : memref<125x16xf32, #tpu.memory_space<vmem>>)
    %run_scoped3A = arith.constant 0 : i32
    %run_scoped3A_47 = arith.constant 78 : i32
    "tpu.region"() ({
      %run_scoped3A_67 = tpu.sem_alloc : memref<!tpu.dma_semaphore, #tpu.memory_space<semaphore_mem>>
      %dma_start3A_68 = arith.constant 0 : i32
      %dma_start3A_69 = arith.constant 0 : i32
      %dma_start3A_70 = tpu.memref_slice %arg10[%run_scoped3A, %dma_start3A_68, %dma_start3A_69] : memref<2x125x16xf32, #tpu.memory_space<vmem>> -> memref<1x125x16xf32, #tpu.memory_space<vmem>>
      %dma_start3A_71 = tpu.memref_squeeze %dma_start3A_70 : memref<1x125x16xf32, #tpu.memory_space<vmem>> -> memref<125x16xf32, #tpu.memory_space<vmem>>
      %dma_start3A_72 = arith.constant 0 : i32
      %dma_start3A_73 = tpu.memref_slice %arg9[%run_scoped3A_47, %dma_start3A_72] : memref<80x125xi32, #tpu.memory_space<vmem>> -> memref<1x125xi32, #tpu.memory_space<vmem>>
      %dma_start3A_74 = tpu.memref_squeeze %dma_start3A_73 : memref<1x125xi32, #tpu.memory_space<vmem>> -> memref<125xi32, #tpu.memory_space<vmem>>
      %dma_start3A_75 = arith.constant 0 : i32
      %dma_start3A_76 = arith.constant 0 : i32
      %dma_start3A_77 = tpu.memref_slice %arg7[%dma_start3A_75, %dma_start3A_76] : memref<10240x16xf32, #tpu.memory_space<vmem_shared>> -> memref<10240x16xf32, #tpu.memory_space<vmem_shared>>
      tpu.enqueue_indirect_dma source(%dma_start3A_71 : memref<125x16xf32, #tpu.memory_space<vmem>>) target(%dma_start3A_77 : memref<10240x16xf32, #tpu.memory_space<vmem_shared>>) offsets(%dma_start3A_74 : memref<125xi32, #tpu.memory_space<vmem>>) semaphore(%run_scoped3A_67 : memref<!tpu.dma_semaphore, #tpu.memory_space<semaphore_mem>>) {add = true}
      %dma_wait3A_78 = arith.constant 0 : i32
      %dma_wait3A_79 = arith.constant 0 : i32
      %dma_wait3A_80 = tpu.memref_slice %arg10[%run_scoped3A, %dma_wait3A_78, %dma_wait3A_79] : memref<2x125x16xf32, #tpu.memory_space<vmem>> -> memref<1x125x16xf32, #tpu.memory_space<vmem>>
      %dma_wait3A_81 = tpu.memref_squeeze %dma_wait3A_80 : memref<1x125x16xf32, #tpu.memory_space<vmem>> -> memref<125x16xf32, #tpu.memory_space<vmem>>
      %dma_wait3A_82 = arith.constant 0 : i32
      %dma_wait3A_83 = tpu.memref_slice %arg9[%run_scoped3A_47, %dma_wait3A_82] : memref<80x125xi32, #tpu.memory_space<vmem>> -> memref<1x125xi32, #tpu.memory_space<vmem>>
      %dma_wait3A_84 = tpu.memref_squeeze %dma_wait3A_83 : memref<1x125xi32, #tpu.memory_space<vmem>> -> memref<125xi32, #tpu.memory_space<vmem>>
      %dma_wait3A_85 = arith.constant 0 : i32
      %dma_wait3A_86 = arith.constant 0 : i32
      %dma_wait3A_87 = tpu.memref_slice %arg7[%dma_wait3A_85, %dma_wait3A_86] : memref<10240x16xf32, #tpu.memory_space<vmem_shared>> -> memref<10240x16xf32, #tpu.memory_space<vmem_shared>>
      tpu.wait_indirect_dma semaphore(%run_scoped3A_67 : memref<!tpu.dma_semaphore, #tpu.memory_space<semaphore_mem>>) src(%dma_wait3A_81 : memref<125x16xf32, #tpu.memory_space<vmem>>) dst(%dma_wait3A_87 : memref<10240x16xf32, #tpu.memory_space<vmem_shared>>)
      tpu.yield
    }) : () -> ()
    %dma_wait3A_48 = arith.constant 79 : i32
    %dma_wait3A_49 = arith.constant 1 : i32
    %dma_wait3A_50 = arith.constant 0 : i32
    %dma_wait3A_51 = arith.constant 0 : i32
    %dma_wait3A_52 = tpu.memref_slice %arg10[%dma_wait3A_49, %dma_wait3A_50, %dma_wait3A_51] : memref<2x125x16xf32, #tpu.memory_space<vmem>> -> memref<1x125x16xf32, #tpu.memory_space<vmem>>
    %dma_wait3A_53 = tpu.memref_squeeze %dma_wait3A_52 : memref<1x125x16xf32, #tpu.memory_space<vmem>> -> memref<125x16xf32, #tpu.memory_space<vmem>>
    %dma_wait3A_54 = arith.constant 0 : i32
    %dma_wait3A_55 = tpu.memref_slice %arg8[%dma_wait3A_48, %dma_wait3A_54] : memref<80x125xi32, #tpu.memory_space<vmem>> -> memref<1x125xi32, #tpu.memory_space<vmem>>
    %dma_wait3A_56 = tpu.memref_squeeze %dma_wait3A_55 : memref<1x125xi32, #tpu.memory_space<vmem>> -> memref<125xi32, #tpu.memory_space<vmem>>
    %dma_wait3A_57 = arith.constant 0 : i32
    %dma_wait3A_58 = arith.constant 0 : i32
    %dma_wait3A_59 = tpu.memref_slice %arg2[%dma_wait3A_57, %dma_wait3A_58] : memref<10240x16xf32, #tpu.memory_space<hbm>> -> memref<10240x16xf32, #tpu.memory_space<hbm>>
    tpu.wait_indirect_dma semaphore(%arg12 : memref<!tpu.dma_semaphore, #tpu.memory_space<semaphore_mem>>) src(%dma_wait3A_59 : memref<10240x16xf32, #tpu.memory_space<hbm>>) dst(%dma_wait3A_53 : memref<125x16xf32, #tpu.memory_space<vmem>>)
    %run_scoped3A_60 = arith.constant 1 : i32
    %run_scoped3A_61 = arith.constant 79 : i32
    "tpu.region"() ({
      %run_scoped3A_67 = tpu.sem_alloc : memref<!tpu.dma_semaphore, #tpu.memory_space<semaphore_mem>>
      %dma_start3A_68 = arith.constant 0 : i32
      %dma_start3A_69 = arith.constant 0 : i32
      %dma_start3A_70 = tpu.memref_slice %arg10[%run_scoped3A_60, %dma_start3A_68, %dma_start3A_69] : memref<2x125x16xf32, #tpu.memory_space<vmem>> -> memref<1x125x16xf32, #tpu.memory_space<vmem>>
      %dma_start3A_71 = tpu.memref_squeeze %dma_start3A_70 : memref<1x125x16xf32, #tpu.memory_space<vmem>> -> memref<125x16xf32, #tpu.memory_space<vmem>>
      %dma_start3A_72 = arith.constant 0 : i32
      %dma_start3A_73 = tpu.memref_slice %arg9[%run_scoped3A_61, %dma_start3A_72] : memref<80x125xi32, #tpu.memory_space<vmem>> -> memref<1x125xi32, #tpu.memory_space<vmem>>
      %dma_start3A_74 = tpu.memref_squeeze %dma_start3A_73 : memref<1x125xi32, #tpu.memory_space<vmem>> -> memref<125xi32, #tpu.memory_space<vmem>>
      %dma_start3A_75 = arith.constant 0 : i32
      %dma_start3A_76 = arith.constant 0 : i32
      %dma_start3A_77 = tpu.memref_slice %arg7[%dma_start3A_75, %dma_start3A_76] : memref<10240x16xf32, #tpu.memory_space<vmem_shared>> -> memref<10240x16xf32, #tpu.memory_space<vmem_shared>>
      tpu.enqueue_indirect_dma source(%dma_start3A_71 : memref<125x16xf32, #tpu.memory_space<vmem>>) target(%dma_start3A_77 : memref<10240x16xf32, #tpu.memory_space<vmem_shared>>) offsets(%dma_start3A_74 : memref<125xi32, #tpu.memory_space<vmem>>) semaphore(%run_scoped3A_67 : memref<!tpu.dma_semaphore, #tpu.memory_space<semaphore_mem>>) {add = true}
      %dma_wait3A_78 = arith.constant 0 : i32
      %dma_wait3A_79 = arith.constant 0 : i32
      %dma_wait3A_80 = tpu.memref_slice %arg10[%run_scoped3A_60, %dma_wait3A_78, %dma_wait3A_79] : memref<2x125x16xf32, #tpu.memory_space<vmem>> -> memref<1x125x16xf32, #tpu.memory_space<vmem>>
      %dma_wait3A_81 = tpu.memref_squeeze %dma_wait3A_80 : memref<1x125x16xf32, #tpu.memory_space<vmem>> -> memref<125x16xf32, #tpu.memory_space<vmem>>
      %dma_wait3A_82 = arith.constant 0 : i32
      %dma_wait3A_83 = tpu.memref_slice %arg9[%run_scoped3A_61, %dma_wait3A_82] : memref<80x125xi32, #tpu.memory_space<vmem>> -> memref<1x125xi32, #tpu.memory_space<vmem>>
      %dma_wait3A_84 = tpu.memref_squeeze %dma_wait3A_83 : memref<1x125xi32, #tpu.memory_space<vmem>> -> memref<125xi32, #tpu.memory_space<vmem>>
      %dma_wait3A_85 = arith.constant 0 : i32
      %dma_wait3A_86 = arith.constant 0 : i32
      %dma_wait3A_87 = tpu.memref_slice %arg7[%dma_wait3A_85, %dma_wait3A_86] : memref<10240x16xf32, #tpu.memory_space<vmem_shared>> -> memref<10240x16xf32, #tpu.memory_space<vmem_shared>>
      tpu.wait_indirect_dma semaphore(%run_scoped3A_67 : memref<!tpu.dma_semaphore, #tpu.memory_space<semaphore_mem>>) src(%dma_wait3A_81 : memref<125x16xf32, #tpu.memory_space<vmem>>) dst(%dma_wait3A_87 : memref<10240x16xf32, #tpu.memory_space<vmem_shared>>)
      tpu.yield
    }) : () -> ()
    %barrier3A_62 = arith.constant 0 : index
    tpu.barrier barrier_id(%barrier3A_62)
    %mul3A_63 = arith.constant 640 : i32
    %mul3A_64 = arith.muli %arg1, %mul3A_63 : i32
    %mul3A_65 = arith.constant 640 : i32
    %mul3A_66 = arith.muli %arg1, %mul3A_65 : i32
    "tpu.region"() ({
      %run_scoped3A_67 = tpu.sem_alloc : memref<!tpu.dma_semaphore, #tpu.memory_space<semaphore_mem>>
      %dma_start3A_68 = arith.constant 0 : i32
      %dma_start3A_69 = arith.constant 0 : i32
      %dma_start3A_70 = tpu.memref_slice %arg6[%arg0, %dma_start3A_68, %dma_start3A_69] : memref<2x10240x16xf32, #tpu.memory_space<hbm>> -> memref<1x10240x16xf32, #tpu.memory_space<hbm>>
      %dma_start3A_71 = tpu.memref_squeeze %dma_start3A_70 : memref<1x10240x16xf32, #tpu.memory_space<hbm>> -> memref<10240x16xf32, #tpu.memory_space<hbm>>
      %dma_start3A_72 = arith.constant 0 : i32
      %dma_start3A_73 = tpu.memref_slice %dma_start3A_71[%mul3A_66, %dma_start3A_72] : memref<10240x16xf32, #tpu.memory_space<hbm>> -> memref<640x16xf32, #tpu.memory_space<hbm>>
      %dma_start3A_74 = arith.constant 0 : i32
      %dma_start3A_75 = tpu.memref_slice %arg7[%mul3A_64, %dma_start3A_74] : memref<10240x16xf32, #tpu.memory_space<vmem_shared>> -> memref<640x16xf32, #tpu.memory_space<vmem_shared>>
      tpu.enqueue_dma source(%dma_start3A_75 : memref<640x16xf32, #tpu.memory_space<vmem_shared>>) target(%dma_start3A_73 : memref<640x16xf32, #tpu.memory_space<hbm>>) target_semaphore(%run_scoped3A_67 : memref<!tpu.dma_semaphore, #tpu.memory_space<semaphore_mem>>)
      %dma_wait3A_76 = arith.constant 0 : i32
      %dma_wait3A_77 = arith.constant 0 : i32
      %dma_wait3A_78 = tpu.memref_slice %arg6[%arg0, %dma_wait3A_76, %dma_wait3A_77] : memref<2x10240x16xf32, #tpu.memory_space<hbm>> -> memref<1x10240x16xf32, #tpu.memory_space<hbm>>
      %dma_wait3A_79 = tpu.memref_squeeze %dma_wait3A_78 : memref<1x10240x16xf32, #tpu.memory_space<hbm>> -> memref<10240x16xf32, #tpu.memory_space<hbm>>
      %dma_wait3A_80 = arith.constant 0 : i32
      %dma_wait3A_81 = tpu.memref_slice %dma_wait3A_79[%mul3A_66, %dma_wait3A_80] : memref<10240x16xf32, #tpu.memory_space<hbm>> -> memref<640x16xf32, #tpu.memory_space<hbm>>
      %dma_wait3A_82 = arith.constant 0 : i32
      %dma_wait3A_83 = tpu.memref_slice %arg7[%mul3A_64, %dma_wait3A_82] : memref<10240x16xf32, #tpu.memory_space<vmem_shared>> -> memref<640x16xf32, #tpu.memory_space<vmem_shared>>
      tpu.wait_dma2 semaphore(%run_scoped3A_67 : memref<!tpu.dma_semaphore, #tpu.memory_space<semaphore_mem>>) src(%dma_wait3A_83 : memref<640x16xf32, #tpu.memory_space<vmem_shared>>) dst(%dma_wait3A_81 : memref<640x16xf32, #tpu.memory_space<hbm>>)
      tpu.yield
    }) : () -> ()
    return
  }
}

#map = affine_map<(d0, d1) -> (0, 0)>
#map1 = affine_map<(d0, d1) -> (0, 0, 0)>
module attributes {stable_mosaic.version = 14 : i64} {
  func.func @_seg_kernel(%arg0: i32, %arg1: i32, %arg2: memref<10240x16xf32, #tpu.memory_space<hbm>>, %arg3: memref<2560x125xi32, #tpu.memory_space<hbm>>, %arg4: memref<2560x125xi32, #tpu.memory_space<hbm>>, %arg5: memref<10240x16xf32, #tpu.memory_space<hbm>>, %arg6: memref<2x10240x16xf32, #tpu.memory_space<hbm>>, %arg7: memref<10240x16xf32, #tpu.memory_space<vmem_shared>>, %arg8: memref<80x125xi32, #tpu.memory_space<vmem>>, %arg9: memref<80x125xi32, #tpu.memory_space<vmem>>, %arg10: memref<2x125x16xf32, #tpu.memory_space<vmem>>, %arg11: memref<!tpu.dma_semaphore, #tpu.memory_space<semaphore_mem>>, %arg12: memref<!tpu.dma_semaphore, #tpu.memory_space<semaphore_mem>>) attributes {dimension_semantics = [#tpu.dimension_semantics<core_parallel>, #tpu.dimension_semantics<subcore_parallel>], iteration_bounds = array<i64: 2, 16>, scalar_prefetch = 0 : i64, scratch_operands = 6 : i64, tpu.core_type = #tpu.core_type<sc_vector_subcore>, window_params = [{transform_indices = #map}, {transform_indices = #map}, {transform_indices = #map}, {transform_indices = #map}, {transform_indices = #map1}]} {
    %mul3A = arith.constant 2 : i32
    %mul3A_0 = arith.muli %arg1, %mul3A : i32
    %add3A = arith.addi %mul3A_0, %arg0 : i32
    %mul3A_1 = arith.constant 80 : i32
    %mul3A_2 = arith.muli %add3A, %mul3A_1 : i32
    "tpu.region"() ({
      %run_scoped3A_67 = tpu.sem_alloc : memref<!tpu.dma_semaphore, #tpu.memory_space<semaphore_mem>>
      %dma_start3A_68 = arith.constant 0 : i32
      %dma_start3A_69 = tpu.memref_slice %arg3[%mul3A_2, %dma_start3A_68] : memref<2560x125xi32, #tpu.memory_space<hbm>> -> memref<80x125xi32, #tpu.memory_space<hbm>>
      %dma_start3A_70 = arith.constant 0 : i32
      %dma_start3A_71 = tpu.memref_slice %arg3[%mul3A_2, %dma_start3A_70] : memref<2560x125xi32, #tpu.memory_space<hbm>> -> memref<80x125xi32, #tpu.memory_space<hbm>>
      tpu.enqueue_dma source(%dma_start3A_71 : memref<80x125xi32, #tpu.memory_space<hbm>>) target(%arg8 : memref<80x125xi32, #tpu.memory_space<vmem>>) target_semaphore(%run_scoped3A_67 : memref<!tpu.dma_semaphore, #tpu.memory_space<semaphore_mem>>)
      %dma_wait3A_72 = arith.constant 0 : i32
      %dma_wait3A_73 = tpu.memref_slice %arg3[%mul3A_2, %dma_wait3A_72] : memref<2560x125xi32, #tpu.memory_space<hbm>> -> memref<80x125xi32, #tpu.memory_space<hbm>>
      %dma_wait3A_74 = arith.constant 0 : i32
      %dma_wait3A_75 = tpu.memref_slice %arg3[%mul3A_2, %dma_wait3A_74] : memref<2560x125xi32, #tpu.memory_space<hbm>> -> memref<80x125xi32, #tpu.memory_space<hbm>>
      tpu.wait_dma2 semaphore(%run_scoped3A_67 : memref<!tpu.dma_semaphore, #tpu.memory_space<semaphore_mem>>) src(%dma_wait3A_75 : memref<80x125xi32, #tpu.memory_space<hbm>>) dst(%arg8 : memref<80x125xi32, #tpu.memory_space<vmem>>)
      tpu.yield
    }) : () -> ()
    %mul3A_3 = arith.constant 80 : i32
    %mul3A_4 = arith.muli %add3A, %mul3A_3 : i32
    "tpu.region"() ({
      %run_scoped3A_67 = tpu.sem_alloc : memref<!tpu.dma_semaphore, #tpu.memory_space<semaphore_mem>>
      %dma_start3A_68 = arith.constant 0 : i32
      %dma_start3A_69 = tpu.memref_slice %arg4[%mul3A_4, %dma_start3A_68] : memref<2560x125xi32, #tpu.memory_space<hbm>> -> memref<80x125xi32, #tpu.memory_space<hbm>>
      %dma_start3A_70 = arith.constant 0 : i32
      %dma_start3A_71 = tpu.memref_slice %arg4[%mul3A_4, %dma_start3A_70] : memref<2560x125xi32, #tpu.memory_space<hbm>> -> memref<80x125xi32, #tpu.memory_space<hbm>>
      tpu.enqueue_dma source(%dma_start3A_71 : memref<80x125xi32, #tpu.memory_space<hbm>>) target(%arg9 : memref<80x125xi32, #tpu.memory_space<vmem>>) target_semaphore(%run_scoped3A_67 : memref<!tpu.dma_semaphore, #tpu.memory_space<semaphore_mem>>)
      %dma_wait3A_72 = arith.constant 0 : i32
      %dma_wait3A_73 = tpu.memref_slice %arg4[%mul3A_4, %dma_wait3A_72] : memref<2560x125xi32, #tpu.memory_space<hbm>> -> memref<80x125xi32, #tpu.memory_space<hbm>>
      %dma_wait3A_74 = arith.constant 0 : i32
      %dma_wait3A_75 = tpu.memref_slice %arg4[%mul3A_4, %dma_wait3A_74] : memref<2560x125xi32, #tpu.memory_space<hbm>> -> memref<80x125xi32, #tpu.memory_space<hbm>>
      tpu.wait_dma2 semaphore(%run_scoped3A_67 : memref<!tpu.dma_semaphore, #tpu.memory_space<semaphore_mem>>) src(%dma_wait3A_75 : memref<80x125xi32, #tpu.memory_space<hbm>>) dst(%arg9 : memref<80x125xi32, #tpu.memory_space<vmem>>)
      tpu.yield
    }) : () -> ()
    %mul3A_5 = arith.constant 640 : i32
    %mul3A_6 = arith.muli %arg1, %mul3A_5 : i32
    %mul3A_7 = arith.constant 640 : i32
    %mul3A_8 = arith.muli %arg1, %mul3A_7 : i32
    "tpu.region"() ({
      %run_scoped3A_67 = tpu.sem_alloc : memref<!tpu.dma_semaphore, #tpu.memory_space<semaphore_mem>>
      %dma_start3A_68 = arith.constant 0 : i32
      %dma_start3A_69 = tpu.memref_slice %arg7[%mul3A_8, %dma_start3A_68] : memref<10240x16xf32, #tpu.memory_space<vmem_shared>> -> memref<640x16xf32, #tpu.memory_space<vmem_shared>>
      %dma_start3A_70 = arith.constant 0 : i32
      %dma_start3A_71 = tpu.memref_slice %arg5[%mul3A_6, %dma_start3A_70] : memref<10240x16xf32, #tpu.memory_space<hbm>> -> memref<640x16xf32, #tpu.memory_space<hbm>>
      tpu.enqueue_dma source(%dma_start3A_71 : memref<640x16xf32, #tpu.memory_space<hbm>>) target(%dma_start3A_69 : memref<640x16xf32, #tpu.memory_space<vmem_shared>>) target_semaphore(%run_scoped3A_67 : memref<!tpu.dma_semaphore, #tpu.memory_space<semaphore_mem>>)
      %dma_wait3A_72 = arith.constant 0 : i32
      %dma_wait3A_73 = tpu.memref_slice %arg7[%mul3A_8, %dma_wait3A_72] : memref<10240x16xf32, #tpu.memory_space<vmem_shared>> -> memref<640x16xf32, #tpu.memory_space<vmem_shared>>
      %dma_wait3A_74 = arith.constant 0 : i32
      %dma_wait3A_75 = tpu.memref_slice %arg5[%mul3A_6, %dma_wait3A_74] : memref<10240x16xf32, #tpu.memory_space<hbm>> -> memref<640x16xf32, #tpu.memory_space<hbm>>
      tpu.wait_dma2 semaphore(%run_scoped3A_67 : memref<!tpu.dma_semaphore, #tpu.memory_space<semaphore_mem>>) src(%dma_wait3A_75 : memref<640x16xf32, #tpu.memory_space<hbm>>) dst(%dma_wait3A_73 : memref<640x16xf32, #tpu.memory_space<vmem_shared>>)
      tpu.yield
    }) : () -> ()
    %dma_start3A = arith.constant 0 : i32
    %dma_start3A_9 = arith.constant 0 : i32
    %dma_start3A_10 = arith.constant 0 : i32
    %dma_start3A_11 = arith.constant 0 : i32
    %dma_start3A_12 = tpu.memref_slice %arg10[%dma_start3A_9, %dma_start3A_10, %dma_start3A_11] : memref<2x125x16xf32, #tpu.memory_space<vmem>> -> memref<1x125x16xf32, #tpu.memory_space<vmem>>
    %dma_start3A_13 = tpu.memref_squeeze %dma_start3A_12 : memref<1x125x16xf32, #tpu.memory_space<vmem>> -> memref<125x16xf32, #tpu.memory_space<vmem>>
    %dma_start3A_14 = arith.constant 0 : i32
    %dma_start3A_15 = tpu.memref_slice %arg8[%dma_start3A, %dma_start3A_14] : memref<80x125xi32, #tpu.memory_space<vmem>> -> memref<1x125xi32, #tpu.memory_space<vmem>>
    %dma_start3A_16 = tpu.memref_squeeze %dma_start3A_15 : memref<1x125xi32, #tpu.memory_space<vmem>> -> memref<125xi32, #tpu.memory_space<vmem>>
    %dma_start3A_17 = arith.constant 0 : i32
    %dma_start3A_18 = arith.constant 0 : i32
    %dma_start3A_19 = tpu.memref_slice %arg2[%dma_start3A_17, %dma_start3A_18] : memref<10240x16xf32, #tpu.memory_space<hbm>> -> memref<10240x16xf32, #tpu.memory_space<hbm>>
    tpu.enqueue_indirect_dma source(%dma_start3A_19 : memref<10240x16xf32, #tpu.memory_space<hbm>>) target(%dma_start3A_13 : memref<125x16xf32, #tpu.memory_space<vmem>>) offsets(%dma_start3A_16 : memref<125xi32, #tpu.memory_space<vmem>>) semaphore(%arg11 : memref<!tpu.dma_semaphore, #tpu.memory_space<semaphore_mem>>)
    %barrier3A = arith.constant 0 : index
    tpu.barrier barrier_id(%barrier3A)
    %scan3A = arith.constant 0 : i32
    %scan3A_20 = arith.constant 39 : i32
    %scan3A_21 = arith.addi %scan3A, %scan3A_20 : i32
    %scan3A_22 = arith.constant 1 : i32
    scf.for %scan3A_67 = %scan3A to %scan3A_21 step %scan3A_22  : i32 {
      %mul3A_68 = arith.constant 2 : i32
      %mul3A_69 = arith.muli %mul3A_68, %scan3A_67 : i32
      %mul3A_70 = arith.constant 2 : i32
      %mul3A_71 = arith.muli %mul3A_70, %scan3A_67 : i32
      %add3A_72 = arith.constant 1 : i32
      %add3A_73 = arith.addi %mul3A_71, %add3A_72 : i32
      %dma_start3A_74 = arith.constant 1 : i32
      %dma_start3A_75 = arith.constant 0 : i32
      %dma_start3A_76 = arith.constant 0 : i32
      %dma_start3A_77 = tpu.memref_slice %arg10[%dma_start3A_74, %dma_start3A_75, %dma_start3A_76] : memref<2x125x16xf32, #tpu.memory_space<vmem>> -> memref<1x125x16xf32, #tpu.memory_space<vmem>>
      %dma_start3A_78 = tpu.memref_squeeze %dma_start3A_77 : memref<1x125x16xf32, #tpu.memory_space<vmem>> -> memref<125x16xf32, #tpu.memory_space<vmem>>
      %dma_start3A_79 = arith.constant 0 : i32
      %dma_start3A_80 = tpu.memref_slice %arg8[%add3A_73, %dma_start3A_79] : memref<80x125xi32, #tpu.memory_space<vmem>> -> memref<1x125xi32, #tpu.memory_space<vmem>>
      %dma_start3A_81 = tpu.memref_squeeze %dma_start3A_80 : memref<1x125xi32, #tpu.memory_space<vmem>> -> memref<125xi32, #tpu.memory_space<vmem>>
      %dma_start3A_82 = arith.constant 0 : i32
      %dma_start3A_83 = arith.constant 0 : i32
      %dma_start3A_84 = tpu.memref_slice %arg2[%dma_start3A_82, %dma_start3A_83] : memref<10240x16xf32, #tpu.memory_space<hbm>> -> memref<10240x16xf32, #tpu.memory_space<hbm>>
      tpu.enqueue_indirect_dma source(%dma_start3A_84 : memref<10240x16xf32, #tpu.memory_space<hbm>>) target(%dma_start3A_78 : memref<125x16xf32, #tpu.memory_space<vmem>>) offsets(%dma_start3A_81 : memref<125xi32, #tpu.memory_space<vmem>>) semaphore(%arg12 : memref<!tpu.dma_semaphore, #tpu.memory_space<semaphore_mem>>)
      %dma_wait3A_85 = arith.constant 0 : i32
      %dma_wait3A_86 = arith.constant 0 : i32
      %dma_wait3A_87 = arith.constant 0 : i32
      %dma_wait3A_88 = tpu.memref_slice %arg10[%dma_wait3A_85, %dma_wait3A_86, %dma_wait3A_87] : memref<2x125x16xf32, #tpu.memory_space<vmem>> -> memref<1x125x16xf32, #tpu.memory_space<vmem>>
      %dma_wait3A_89 = tpu.memref_squeeze %dma_wait3A_88 : memref<1x125x16xf32, #tpu.memory_space<vmem>> -> memref<125x16xf32, #tpu.memory_space<vmem>>
      %dma_wait3A_90 = arith.constant 0 : i32
      %dma_wait3A_91 = tpu.memref_slice %arg8[%mul3A_69, %dma_wait3A_90] : memref<80x125xi32, #tpu.memory_space<vmem>> -> memref<1x125xi32, #tpu.memory_space<vmem>>
      %dma_wait3A_92 = tpu.memref_squeeze %dma_wait3A_91 : memref<1x125xi32, #tpu.memory_space<vmem>> -> memref<125xi32, #tpu.memory_space<vmem>>
      %dma_wait3A_93 = arith.constant 0 : i32
      %dma_wait3A_94 = arith.constant 0 : i32
      %dma_wait3A_95 = tpu.memref_slice %arg2[%dma_wait3A_93, %dma_wait3A_94] : memref<10240x16xf32, #tpu.memory_space<hbm>> -> memref<10240x16xf32, #tpu.memory_space<hbm>>
      tpu.wait_indirect_dma semaphore(%arg11 : memref<!tpu.dma_semaphore, #tpu.memory_space<semaphore_mem>>) src(%dma_wait3A_95 : memref<10240x16xf32, #tpu.memory_space<hbm>>) dst(%dma_wait3A_89 : memref<125x16xf32, #tpu.memory_space<vmem>>)
      %run_scoped3A_96 = arith.constant 0 : i32
      "tpu.region"() ({
        %run_scoped3A_122 = tpu.sem_alloc : memref<!tpu.dma_semaphore, #tpu.memory_space<semaphore_mem>>
        %dma_start3A_123 = arith.constant 0 : i32
        %dma_start3A_124 = arith.constant 0 : i32
        %dma_start3A_125 = tpu.memref_slice %arg10[%run_scoped3A_96, %dma_start3A_123, %dma_start3A_124] : memref<2x125x16xf32, #tpu.memory_space<vmem>> -> memref<1x125x16xf32, #tpu.memory_space<vmem>>
        %dma_start3A_126 = tpu.memref_squeeze %dma_start3A_125 : memref<1x125x16xf32, #tpu.memory_space<vmem>> -> memref<125x16xf32, #tpu.memory_space<vmem>>
        %dma_start3A_127 = arith.constant 0 : i32
        %dma_start3A_128 = tpu.memref_slice %arg9[%mul3A_69, %dma_start3A_127] : memref<80x125xi32, #tpu.memory_space<vmem>> -> memref<1x125xi32, #tpu.memory_space<vmem>>
        %dma_start3A_129 = tpu.memref_squeeze %dma_start3A_128 : memref<1x125xi32, #tpu.memory_space<vmem>> -> memref<125xi32, #tpu.memory_space<vmem>>
        %dma_start3A_130 = arith.constant 0 : i32
        %dma_start3A_131 = arith.constant 0 : i32
        %dma_start3A_132 = tpu.memref_slice %arg7[%dma_start3A_130, %dma_start3A_131] : memref<10240x16xf32, #tpu.memory_space<vmem_shared>> -> memref<10240x16xf32, #tpu.memory_space<vmem_shared>>
        tpu.enqueue_indirect_dma source(%dma_start3A_126 : memref<125x16xf32, #tpu.memory_space<vmem>>) target(%dma_start3A_132 : memref<10240x16xf32, #tpu.memory_space<vmem_shared>>) offsets(%dma_start3A_129 : memref<125xi32, #tpu.memory_space<vmem>>) semaphore(%run_scoped3A_122 : memref<!tpu.dma_semaphore, #tpu.memory_space<semaphore_mem>>) {add = true}
        %dma_wait3A_133 = arith.constant 0 : i32
        %dma_wait3A_134 = arith.constant 0 : i32
        %dma_wait3A_135 = tpu.memref_slice %arg10[%run_scoped3A_96, %dma_wait3A_133, %dma_wait3A_134] : memref<2x125x16xf32, #tpu.memory_space<vmem>> -> memref<1x125x16xf32, #tpu.memory_space<vmem>>
        %dma_wait3A_136 = tpu.memref_squeeze %dma_wait3A_135 : memref<1x125x16xf32, #tpu.memory_space<vmem>> -> memref<125x16xf32, #tpu.memory_space<vmem>>
        %dma_wait3A_137 = arith.constant 0 : i32
        %dma_wait3A_138 = tpu.memref_slice %arg9[%mul3A_69, %dma_wait3A_137] : memref<80x125xi32, #tpu.memory_space<vmem>> -> memref<1x125xi32, #tpu.memory_space<vmem>>
        %dma_wait3A_139 = tpu.memref_squeeze %dma_wait3A_138 : memref<1x125xi32, #tpu.memory_space<vmem>> -> memref<125xi32, #tpu.memory_space<vmem>>
        %dma_wait3A_140 = arith.constant 0 : i32
        %dma_wait3A_141 = arith.constant 0 : i32
        %dma_wait3A_142 = tpu.memref_slice %arg7[%dma_wait3A_140, %dma_wait3A_141] : memref<10240x16xf32, #tpu.memory_space<vmem_shared>> -> memref<10240x16xf32, #tpu.memory_space<vmem_shared>>
        tpu.wait_indirect_dma semaphore(%run_scoped3A_122 : memref<!tpu.dma_semaphore, #tpu.memory_space<semaphore_mem>>) src(%dma_wait3A_136 : memref<125x16xf32, #tpu.memory_space<vmem>>) dst(%dma_wait3A_142 : memref<10240x16xf32, #tpu.memory_space<vmem_shared>>)
        tpu.yield
      }) : () -> ()
      %add3A_97 = arith.constant 1 : i32
      %add3A_98 = arith.addi %add3A_73, %add3A_97 : i32
      %dma_start3A_99 = arith.constant 0 : i32
      %dma_start3A_100 = arith.constant 0 : i32
      %dma_start3A_101 = arith.constant 0 : i32
      %dma_start3A_102 = tpu.memref_slice %arg10[%dma_start3A_99, %dma_start3A_100, %dma_start3A_101] : memref<2x125x16xf32, #tpu.memory_space<vmem>> -> memref<1x125x16xf32, #tpu.memory_space<vmem>>
      %dma_start3A_103 = tpu.memref_squeeze %dma_start3A_102 : memref<1x125x16xf32, #tpu.memory_space<vmem>> -> memref<125x16xf32, #tpu.memory_space<vmem>>
      %dma_start3A_104 = arith.constant 0 : i32
      %dma_start3A_105 = tpu.memref_slice %arg8[%add3A_98, %dma_start3A_104] : memref<80x125xi32, #tpu.memory_space<vmem>> -> memref<1x125xi32, #tpu.memory_space<vmem>>
      %dma_start3A_106 = tpu.memref_squeeze %dma_start3A_105 : memref<1x125xi32, #tpu.memory_space<vmem>> -> memref<125xi32, #tpu.memory_space<vmem>>
      %dma_start3A_107 = arith.constant 0 : i32
      %dma_start3A_108 = arith.constant 0 : i32
      %dma_start3A_109 = tpu.memref_slice %arg2[%dma_start3A_107, %dma_start3A_108] : memref<10240x16xf32, #tpu.memory_space<hbm>> -> memref<10240x16xf32, #tpu.memory_space<hbm>>
      tpu.enqueue_indirect_dma source(%dma_start3A_109 : memref<10240x16xf32, #tpu.memory_space<hbm>>) target(%dma_start3A_103 : memref<125x16xf32, #tpu.memory_space<vmem>>) offsets(%dma_start3A_106 : memref<125xi32, #tpu.memory_space<vmem>>) semaphore(%arg11 : memref<!tpu.dma_semaphore, #tpu.memory_space<semaphore_mem>>)
      %dma_wait3A_110 = arith.constant 1 : i32
      %dma_wait3A_111 = arith.constant 0 : i32
      %dma_wait3A_112 = arith.constant 0 : i32
      %dma_wait3A_113 = tpu.memref_slice %arg10[%dma_wait3A_110, %dma_wait3A_111, %dma_wait3A_112] : memref<2x125x16xf32, #tpu.memory_space<vmem>> -> memref<1x125x16xf32, #tpu.memory_space<vmem>>
      %dma_wait3A_114 = tpu.memref_squeeze %dma_wait3A_113 : memref<1x125x16xf32, #tpu.memory_space<vmem>> -> memref<125x16xf32, #tpu.memory_space<vmem>>
      %dma_wait3A_115 = arith.constant 0 : i32
      %dma_wait3A_116 = tpu.memref_slice %arg8[%add3A_73, %dma_wait3A_115] : memref<80x125xi32, #tpu.memory_space<vmem>> -> memref<1x125xi32, #tpu.memory_space<vmem>>
      %dma_wait3A_117 = tpu.memref_squeeze %dma_wait3A_116 : memref<1x125xi32, #tpu.memory_space<vmem>> -> memref<125xi32, #tpu.memory_space<vmem>>
      %dma_wait3A_118 = arith.constant 0 : i32
      %dma_wait3A_119 = arith.constant 0 : i32
      %dma_wait3A_120 = tpu.memref_slice %arg2[%dma_wait3A_118, %dma_wait3A_119] : memref<10240x16xf32, #tpu.memory_space<hbm>> -> memref<10240x16xf32, #tpu.memory_space<hbm>>
      tpu.wait_indirect_dma semaphore(%arg12 : memref<!tpu.dma_semaphore, #tpu.memory_space<semaphore_mem>>) src(%dma_wait3A_120 : memref<10240x16xf32, #tpu.memory_space<hbm>>) dst(%dma_wait3A_114 : memref<125x16xf32, #tpu.memory_space<vmem>>)
      %run_scoped3A_121 = arith.constant 1 : i32
      "tpu.region"() ({
        %run_scoped3A_122 = tpu.sem_alloc : memref<!tpu.dma_semaphore, #tpu.memory_space<semaphore_mem>>
        %dma_start3A_123 = arith.constant 0 : i32
        %dma_start3A_124 = arith.constant 0 : i32
        %dma_start3A_125 = tpu.memref_slice %arg10[%run_scoped3A_121, %dma_start3A_123, %dma_start3A_124] : memref<2x125x16xf32, #tpu.memory_space<vmem>> -> memref<1x125x16xf32, #tpu.memory_space<vmem>>
        %dma_start3A_126 = tpu.memref_squeeze %dma_start3A_125 : memref<1x125x16xf32, #tpu.memory_space<vmem>> -> memref<125x16xf32, #tpu.memory_space<vmem>>
        %dma_start3A_127 = arith.constant 0 : i32
        %dma_start3A_128 = tpu.memref_slice %arg9[%add3A_73, %dma_start3A_127] : memref<80x125xi32, #tpu.memory_space<vmem>> -> memref<1x125xi32, #tpu.memory_space<vmem>>
        %dma_start3A_129 = tpu.memref_squeeze %dma_start3A_128 : memref<1x125xi32, #tpu.memory_space<vmem>> -> memref<125xi32, #tpu.memory_space<vmem>>
        %dma_start3A_130 = arith.constant 0 : i32
        %dma_start3A_131 = arith.constant 0 : i32
        %dma_start3A_132 = tpu.memref_slice %arg7[%dma_start3A_130, %dma_start3A_131] : memref<10240x16xf32, #tpu.memory_space<vmem_shared>> -> memref<10240x16xf32, #tpu.memory_space<vmem_shared>>
        tpu.enqueue_indirect_dma source(%dma_start3A_126 : memref<125x16xf32, #tpu.memory_space<vmem>>) target(%dma_start3A_132 : memref<10240x16xf32, #tpu.memory_space<vmem_shared>>) offsets(%dma_start3A_129 : memref<125xi32, #tpu.memory_space<vmem>>) semaphore(%run_scoped3A_122 : memref<!tpu.dma_semaphore, #tpu.memory_space<semaphore_mem>>) {add = true}
        %dma_wait3A_133 = arith.constant 0 : i32
        %dma_wait3A_134 = arith.constant 0 : i32
        %dma_wait3A_135 = tpu.memref_slice %arg10[%run_scoped3A_121, %dma_wait3A_133, %dma_wait3A_134] : memref<2x125x16xf32, #tpu.memory_space<vmem>> -> memref<1x125x16xf32, #tpu.memory_space<vmem>>
        %dma_wait3A_136 = tpu.memref_squeeze %dma_wait3A_135 : memref<1x125x16xf32, #tpu.memory_space<vmem>> -> memref<125x16xf32, #tpu.memory_space<vmem>>
        %dma_wait3A_137 = arith.constant 0 : i32
        %dma_wait3A_138 = tpu.memref_slice %arg9[%add3A_73, %dma_wait3A_137] : memref<80x125xi32, #tpu.memory_space<vmem>> -> memref<1x125xi32, #tpu.memory_space<vmem>>
        %dma_wait3A_139 = tpu.memref_squeeze %dma_wait3A_138 : memref<1x125xi32, #tpu.memory_space<vmem>> -> memref<125xi32, #tpu.memory_space<vmem>>
        %dma_wait3A_140 = arith.constant 0 : i32
        %dma_wait3A_141 = arith.constant 0 : i32
        %dma_wait3A_142 = tpu.memref_slice %arg7[%dma_wait3A_140, %dma_wait3A_141] : memref<10240x16xf32, #tpu.memory_space<vmem_shared>> -> memref<10240x16xf32, #tpu.memory_space<vmem_shared>>
        tpu.wait_indirect_dma semaphore(%run_scoped3A_122 : memref<!tpu.dma_semaphore, #tpu.memory_space<semaphore_mem>>) src(%dma_wait3A_136 : memref<125x16xf32, #tpu.memory_space<vmem>>) dst(%dma_wait3A_142 : memref<10240x16xf32, #tpu.memory_space<vmem_shared>>)
        tpu.yield
      }) : () -> ()
    }
    %scan3A_23 = arith.constant 39 : i32
    %dma_start3A_24 = arith.constant 79 : i32
    %dma_start3A_25 = arith.constant 1 : i32
    %dma_start3A_26 = arith.constant 0 : i32
    %dma_start3A_27 = arith.constant 0 : i32
    %dma_start3A_28 = tpu.memref_slice %arg10[%dma_start3A_25, %dma_start3A_26, %dma_start3A_27] : memref<2x125x16xf32, #tpu.memory_space<vmem>> -> memref<1x125x16xf32, #tpu.memory_space<vmem>>
    %dma_start3A_29 = tpu.memref_squeeze %dma_start3A_28 : memref<1x125x16xf32, #tpu.memory_space<vmem>> -> memref<125x16xf32, #tpu.memory_space<vmem>>
    %dma_start3A_30 = arith.constant 0 : i32
    %dma_start3A_31 = tpu.memref_slice %arg8[%dma_start3A_24, %dma_start3A_30] : memref<80x125xi32, #tpu.memory_space<vmem>> -> memref<1x125xi32, #tpu.memory_space<vmem>>
    %dma_start3A_32 = tpu.memref_squeeze %dma_start3A_31 : memref<1x125xi32, #tpu.memory_space<vmem>> -> memref<125xi32, #tpu.memory_space<vmem>>
    %dma_start3A_33 = arith.constant 0 : i32
    %dma_start3A_34 = arith.constant 0 : i32
    %dma_start3A_35 = tpu.memref_slice %arg2[%dma_start3A_33, %dma_start3A_34] : memref<10240x16xf32, #tpu.memory_space<hbm>> -> memref<10240x16xf32, #tpu.memory_space<hbm>>
    tpu.enqueue_indirect_dma source(%dma_start3A_35 : memref<10240x16xf32, #tpu.memory_space<hbm>>) target(%dma_start3A_29 : memref<125x16xf32, #tpu.memory_space<vmem>>) offsets(%dma_start3A_32 : memref<125xi32, #tpu.memory_space<vmem>>) semaphore(%arg12 : memref<!tpu.dma_semaphore, #tpu.memory_space<semaphore_mem>>)
    %dma_wait3A = arith.constant 78 : i32
    %dma_wait3A_36 = arith.constant 0 : i32
    %dma_wait3A_37 = arith.constant 0 : i32
    %dma_wait3A_38 = arith.constant 0 : i32
    %dma_wait3A_39 = tpu.memref_slice %arg10[%dma_wait3A_36, %dma_wait3A_37, %dma_wait3A_38] : memref<2x125x16xf32, #tpu.memory_space<vmem>> -> memref<1x125x16xf32, #tpu.memory_space<vmem>>
    %dma_wait3A_40 = tpu.memref_squeeze %dma_wait3A_39 : memref<1x125x16xf32, #tpu.memory_space<vmem>> -> memref<125x16xf32, #tpu.memory_space<vmem>>
    %dma_wait3A_41 = arith.constant 0 : i32
    %dma_wait3A_42 = tpu.memref_slice %arg8[%dma_wait3A, %dma_wait3A_41] : memref<80x125xi32, #tpu.memory_space<vmem>> -> memref<1x125xi32, #tpu.memory_space<vmem>>
    %dma_wait3A_43 = tpu.memref_squeeze %dma_wait3A_42 : memref<1x125xi32, #tpu.memory_space<vmem>> -> memref<125xi32, #tpu.memory_space<vmem>>
    %dma_wait3A_44 = arith.constant 0 : i32
    %dma_wait3A_45 = arith.constant 0 : i32
    %dma_wait3A_46 = tpu.memref_slice %arg2[%dma_wait3A_44, %dma_wait3A_45] : memref<10240x16xf32, #tpu.memory_space<hbm>> -> memref<10240x16xf32, #tpu.memory_space<hbm>>
    tpu.wait_indirect_dma semaphore(%arg11 : memref<!tpu.dma_semaphore, #tpu.memory_space<semaphore_mem>>) src(%dma_wait3A_46 : memref<10240x16xf32, #tpu.memory_space<hbm>>) dst(%dma_wait3A_40 : memref<125x16xf32, #tpu.memory_space<vmem>>)
    %run_scoped3A = arith.constant 0 : i32
    %run_scoped3A_47 = arith.constant 78 : i32
    "tpu.region"() ({
      %run_scoped3A_67 = tpu.sem_alloc : memref<!tpu.dma_semaphore, #tpu.memory_space<semaphore_mem>>
      %dma_start3A_68 = arith.constant 0 : i32
      %dma_start3A_69 = arith.constant 0 : i32
      %dma_start3A_70 = tpu.memref_slice %arg10[%run_scoped3A, %dma_start3A_68, %dma_start3A_69] : memref<2x125x16xf32, #tpu.memory_space<vmem>> -> memref<1x125x16xf32, #tpu.memory_space<vmem>>
      %dma_start3A_71 = tpu.memref_squeeze %dma_start3A_70 : memref<1x125x16xf32, #tpu.memory_space<vmem>> -> memref<125x16xf32, #tpu.memory_space<vmem>>
      %dma_start3A_72 = arith.constant 0 : i32
      %dma_start3A_73 = tpu.memref_slice %arg9[%run_scoped3A_47, %dma_start3A_72] : memref<80x125xi32, #tpu.memory_space<vmem>> -> memref<1x125xi32, #tpu.memory_space<vmem>>
      %dma_start3A_74 = tpu.memref_squeeze %dma_start3A_73 : memref<1x125xi32, #tpu.memory_space<vmem>> -> memref<125xi32, #tpu.memory_space<vmem>>
      %dma_start3A_75 = arith.constant 0 : i32
      %dma_start3A_76 = arith.constant 0 : i32
      %dma_start3A_77 = tpu.memref_slice %arg7[%dma_start3A_75, %dma_start3A_76] : memref<10240x16xf32, #tpu.memory_space<vmem_shared>> -> memref<10240x16xf32, #tpu.memory_space<vmem_shared>>
      tpu.enqueue_indirect_dma source(%dma_start3A_71 : memref<125x16xf32, #tpu.memory_space<vmem>>) target(%dma_start3A_77 : memref<10240x16xf32, #tpu.memory_space<vmem_shared>>) offsets(%dma_start3A_74 : memref<125xi32, #tpu.memory_space<vmem>>) semaphore(%run_scoped3A_67 : memref<!tpu.dma_semaphore, #tpu.memory_space<semaphore_mem>>) {add = true}
      %dma_wait3A_78 = arith.constant 0 : i32
      %dma_wait3A_79 = arith.constant 0 : i32
      %dma_wait3A_80 = tpu.memref_slice %arg10[%run_scoped3A, %dma_wait3A_78, %dma_wait3A_79] : memref<2x125x16xf32, #tpu.memory_space<vmem>> -> memref<1x125x16xf32, #tpu.memory_space<vmem>>
      %dma_wait3A_81 = tpu.memref_squeeze %dma_wait3A_80 : memref<1x125x16xf32, #tpu.memory_space<vmem>> -> memref<125x16xf32, #tpu.memory_space<vmem>>
      %dma_wait3A_82 = arith.constant 0 : i32
      %dma_wait3A_83 = tpu.memref_slice %arg9[%run_scoped3A_47, %dma_wait3A_82] : memref<80x125xi32, #tpu.memory_space<vmem>> -> memref<1x125xi32, #tpu.memory_space<vmem>>
      %dma_wait3A_84 = tpu.memref_squeeze %dma_wait3A_83 : memref<1x125xi32, #tpu.memory_space<vmem>> -> memref<125xi32, #tpu.memory_space<vmem>>
      %dma_wait3A_85 = arith.constant 0 : i32
      %dma_wait3A_86 = arith.constant 0 : i32
      %dma_wait3A_87 = tpu.memref_slice %arg7[%dma_wait3A_85, %dma_wait3A_86] : memref<10240x16xf32, #tpu.memory_space<vmem_shared>> -> memref<10240x16xf32, #tpu.memory_space<vmem_shared>>
      tpu.wait_indirect_dma semaphore(%run_scoped3A_67 : memref<!tpu.dma_semaphore, #tpu.memory_space<semaphore_mem>>) src(%dma_wait3A_81 : memref<125x16xf32, #tpu.memory_space<vmem>>) dst(%dma_wait3A_87 : memref<10240x16xf32, #tpu.memory_space<vmem_shared>>)
      tpu.yield
    }) : () -> ()
    %dma_wait3A_48 = arith.constant 79 : i32
    %dma_wait3A_49 = arith.constant 1 : i32
    %dma_wait3A_50 = arith.constant 0 : i32
    %dma_wait3A_51 = arith.constant 0 : i32
    %dma_wait3A_52 = tpu.memref_slice %arg10[%dma_wait3A_49, %dma_wait3A_50, %dma_wait3A_51] : memref<2x125x16xf32, #tpu.memory_space<vmem>> -> memref<1x125x16xf32, #tpu.memory_space<vmem>>
    %dma_wait3A_53 = tpu.memref_squeeze %dma_wait3A_52 : memref<1x125x16xf32, #tpu.memory_space<vmem>> -> memref<125x16xf32, #tpu.memory_space<vmem>>
    %dma_wait3A_54 = arith.constant 0 : i32
    %dma_wait3A_55 = tpu.memref_slice %arg8[%dma_wait3A_48, %dma_wait3A_54] : memref<80x125xi32, #tpu.memory_space<vmem>> -> memref<1x125xi32, #tpu.memory_space<vmem>>
    %dma_wait3A_56 = tpu.memref_squeeze %dma_wait3A_55 : memref<1x125xi32, #tpu.memory_space<vmem>> -> memref<125xi32, #tpu.memory_space<vmem>>
    %dma_wait3A_57 = arith.constant 0 : i32
    %dma_wait3A_58 = arith.constant 0 : i32
    %dma_wait3A_59 = tpu.memref_slice %arg2[%dma_wait3A_57, %dma_wait3A_58] : memref<10240x16xf32, #tpu.memory_space<hbm>> -> memref<10240x16xf32, #tpu.memory_space<hbm>>
    tpu.wait_indirect_dma semaphore(%arg12 : memref<!tpu.dma_semaphore, #tpu.memory_space<semaphore_mem>>) src(%dma_wait3A_59 : memref<10240x16xf32, #tpu.memory_space<hbm>>) dst(%dma_wait3A_53 : memref<125x16xf32, #tpu.memory_space<vmem>>)
    %run_scoped3A_60 = arith.constant 1 : i32
    %run_scoped3A_61 = arith.constant 79 : i32
    "tpu.region"() ({
      %run_scoped3A_67 = tpu.sem_alloc : memref<!tpu.dma_semaphore, #tpu.memory_space<semaphore_mem>>
      %dma_start3A_68 = arith.constant 0 : i32
      %dma_start3A_69 = arith.constant 0 : i32
      %dma_start3A_70 = tpu.memref_slice %arg10[%run_scoped3A_60, %dma_start3A_68, %dma_start3A_69] : memref<2x125x16xf32, #tpu.memory_space<vmem>> -> memref<1x125x16xf32, #tpu.memory_space<vmem>>
      %dma_start3A_71 = tpu.memref_squeeze %dma_start3A_70 : memref<1x125x16xf32, #tpu.memory_space<vmem>> -> memref<125x16xf32, #tpu.memory_space<vmem>>
      %dma_start3A_72 = arith.constant 0 : i32
      %dma_start3A_73 = tpu.memref_slice %arg9[%run_scoped3A_61, %dma_start3A_72] : memref<80x125xi32, #tpu.memory_space<vmem>> -> memref<1x125xi32, #tpu.memory_space<vmem>>
      %dma_start3A_74 = tpu.memref_squeeze %dma_start3A_73 : memref<1x125xi32, #tpu.memory_space<vmem>> -> memref<125xi32, #tpu.memory_space<vmem>>
      %dma_start3A_75 = arith.constant 0 : i32
      %dma_start3A_76 = arith.constant 0 : i32
      %dma_start3A_77 = tpu.memref_slice %arg7[%dma_start3A_75, %dma_start3A_76] : memref<10240x16xf32, #tpu.memory_space<vmem_shared>> -> memref<10240x16xf32, #tpu.memory_space<vmem_shared>>
      tpu.enqueue_indirect_dma source(%dma_start3A_71 : memref<125x16xf32, #tpu.memory_space<vmem>>) target(%dma_start3A_77 : memref<10240x16xf32, #tpu.memory_space<vmem_shared>>) offsets(%dma_start3A_74 : memref<125xi32, #tpu.memory_space<vmem>>) semaphore(%run_scoped3A_67 : memref<!tpu.dma_semaphore, #tpu.memory_space<semaphore_mem>>) {add = true}
      %dma_wait3A_78 = arith.constant 0 : i32
      %dma_wait3A_79 = arith.constant 0 : i32
      %dma_wait3A_80 = tpu.memref_slice %arg10[%run_scoped3A_60, %dma_wait3A_78, %dma_wait3A_79] : memref<2x125x16xf32, #tpu.memory_space<vmem>> -> memref<1x125x16xf32, #tpu.memory_space<vmem>>
      %dma_wait3A_81 = tpu.memref_squeeze %dma_wait3A_80 : memref<1x125x16xf32, #tpu.memory_space<vmem>> -> memref<125x16xf32, #tpu.memory_space<vmem>>
      %dma_wait3A_82 = arith.constant 0 : i32
      %dma_wait3A_83 = tpu.memref_slice %arg9[%run_scoped3A_61, %dma_wait3A_82] : memref<80x125xi32, #tpu.memory_space<vmem>> -> memref<1x125xi32, #tpu.memory_space<vmem>>
      %dma_wait3A_84 = tpu.memref_squeeze %dma_wait3A_83 : memref<1x125xi32, #tpu.memory_space<vmem>> -> memref<125xi32, #tpu.memory_space<vmem>>
      %dma_wait3A_85 = arith.constant 0 : i32
      %dma_wait3A_86 = arith.constant 0 : i32
      %dma_wait3A_87 = tpu.memref_slice %arg7[%dma_wait3A_85, %dma_wait3A_86] : memref<10240x16xf32, #tpu.memory_space<vmem_shared>> -> memref<10240x16xf32, #tpu.memory_space<vmem_shared>>
      tpu.wait_indirect_dma semaphore(%run_scoped3A_67 : memref<!tpu.dma_semaphore, #tpu.memory_space<semaphore_mem>>) src(%dma_wait3A_81 : memref<125x16xf32, #tpu.memory_space<vmem>>) dst(%dma_wait3A_87 : memref<10240x16xf32, #tpu.memory_space<vmem_shared>>)
      tpu.yield
    }) : () -> ()
    %barrier3A_62 = arith.constant 0 : index
    tpu.barrier barrier_id(%barrier3A_62)
    %mul3A_63 = arith.constant 640 : i32
    %mul3A_64 = arith.muli %arg1, %mul3A_63 : i32
    %mul3A_65 = arith.constant 640 : i32
    %mul3A_66 = arith.muli %arg1, %mul3A_65 : i32
    "tpu.region"() ({
      %run_scoped3A_67 = tpu.sem_alloc : memref<!tpu.dma_semaphore, #tpu.memory_space<semaphore_mem>>
      %dma_start3A_68 = arith.constant 0 : i32
      %dma_start3A_69 = arith.constant 0 : i32
      %dma_start3A_70 = tpu.memref_slice %arg6[%arg0, %dma_start3A_68, %dma_start3A_69] : memref<2x10240x16xf32, #tpu.memory_space<hbm>> -> memref<1x10240x16xf32, #tpu.memory_space<hbm>>
      %dma_start3A_71 = tpu.memref_squeeze %dma_start3A_70 : memref<1x10240x16xf32, #tpu.memory_space<hbm>> -> memref<10240x16xf32, #tpu.memory_space<hbm>>
      %dma_start3A_72 = arith.constant 0 : i32
      %dma_start3A_73 = tpu.memref_slice %dma_start3A_71[%mul3A_66, %dma_start3A_72] : memref<10240x16xf32, #tpu.memory_space<hbm>> -> memref<640x16xf32, #tpu.memory_space<hbm>>
      %dma_start3A_74 = arith.constant 0 : i32
      %dma_start3A_75 = tpu.memref_slice %arg7[%mul3A_64, %dma_start3A_74] : memref<10240x16xf32, #tpu.memory_space<vmem_shared>> -> memref<640x16xf32, #tpu.memory_space<vmem_shared>>
      tpu.enqueue_dma source(%dma_start3A_75 : memref<640x16xf32, #tpu.memory_space<vmem_shared>>) target(%dma_start3A_73 : memref<640x16xf32, #tpu.memory_space<hbm>>) target_semaphore(%run_scoped3A_67 : memref<!tpu.dma_semaphore, #tpu.memory_space<semaphore_mem>>)
      %dma_wait3A_76 = arith.constant 0 : i32
      %dma_wait3A_77 = arith.constant 0 : i32
      %dma_wait3A_78 = tpu.memref_slice %arg6[%arg0, %dma_wait3A_76, %dma_wait3A_77] : memref<2x10240x16xf32, #tpu.memory_space<hbm>> -> memref<1x10240x16xf32, #tpu.memory_space<hbm>>
      %dma_wait3A_79 = tpu.memref_squeeze %dma_wait3A_78 : memref<1x10240x16xf32, #tpu.memory_space<hbm>> -> memref<10240x16xf32, #tpu.memory_space<hbm>>
      %dma_wait3A_80 = arith.constant 0 : i32
      %dma_wait3A_81 = tpu.memref_slice %dma_wait3A_79[%mul3A_66, %dma_wait3A_80] : memref<10240x16xf32, #tpu.memory_space<hbm>> -> memref<640x16xf32, #tpu.memory_space<hbm>>
      %dma_wait3A_82 = arith.constant 0 : i32
      %dma_wait3A_83 = tpu.memref_slice %arg7[%mul3A_64, %dma_wait3A_82] : memref<10240x16xf32, #tpu.memory_space<vmem_shared>> -> memref<640x16xf32, #tpu.memory_space<vmem_shared>>
      tpu.wait_dma2 semaphore(%run_scoped3A_67 : memref<!tpu.dma_semaphore, #tpu.memory_space<semaphore_mem>>) src(%dma_wait3A_83 : memref<640x16xf32, #tpu.memory_space<vmem_shared>>) dst(%dma_wait3A_81 : memref<640x16xf32, #tpu.memory_space<hbm>>)
      tpu.yield
    }) : () -> ()
    return
  }
}

#map = affine_map<(d0, d1) -> (0)>
module attributes {stable_mosaic.version = 14 : i64} {
  func.func @_score_kernel(%arg0: i32, %arg1: i32, %arg2: memref<10000xf32, #tpu.memory_space<hbm>>, %arg3: memref<10000xf32, #tpu.memory_space<hbm>>, %arg4: memref<320000xf32, #tpu.memory_space<hbm>>, %arg5: memref<320000xi32, #tpu.memory_space<hbm>>, %arg6: memref<320000xi32, #tpu.memory_space<hbm>>, %arg7: memref<320000xf32, #tpu.memory_space<hbm>>, %arg8: memref<10000xf32, #tpu.memory_space<vmem>>, %arg9: memref<10000xf32, #tpu.memory_space<vmem>>, %arg10: memref<10000xi32, #tpu.memory_space<vmem>>, %arg11: memref<10000xi32, #tpu.memory_space<vmem>>, %arg12: memref<10000xf32, #tpu.memory_space<vmem>>, %arg13: memref<10000xf32, #tpu.memory_space<vmem>>) attributes {dimension_semantics = [#tpu.dimension_semantics<core_parallel>, #tpu.dimension_semantics<subcore_parallel>], iteration_bounds = array<i64: 2, 16>, scalar_prefetch = 0 : i64, scratch_operands = 6 : i64, tpu.core_type = #tpu.core_type<sc_vector_subcore>, window_params = [{transform_indices = #map}, {transform_indices = #map}, {transform_indices = #map}, {transform_indices = #map}, {transform_indices = #map}, {transform_indices = #map}]} {
    %mul3A = arith.constant 2 : i32
    %mul3A_0 = arith.muli %arg1, %mul3A : i32
    %add3A = arith.addi %mul3A_0, %arg0 : i32
    %mul3A_1 = arith.constant 10000 : i32
    %mul3A_2 = arith.muli %add3A, %mul3A_1 : i32
    "tpu.region"() ({
      %run_scoped3A = tpu.sem_alloc : memref<!tpu.dma_semaphore, #tpu.memory_space<semaphore_mem>>
      tpu.enqueue_dma source(%arg2 : memref<10000xf32, #tpu.memory_space<hbm>>) target(%arg8 : memref<10000xf32, #tpu.memory_space<vmem>>) target_semaphore(%run_scoped3A : memref<!tpu.dma_semaphore, #tpu.memory_space<semaphore_mem>>)
      tpu.wait_dma2 semaphore(%run_scoped3A : memref<!tpu.dma_semaphore, #tpu.memory_space<semaphore_mem>>) src(%arg2 : memref<10000xf32, #tpu.memory_space<hbm>>) dst(%arg8 : memref<10000xf32, #tpu.memory_space<vmem>>)
      tpu.yield
    }) : () -> ()
    "tpu.region"() ({
      %run_scoped3A = tpu.sem_alloc : memref<!tpu.dma_semaphore, #tpu.memory_space<semaphore_mem>>
      tpu.enqueue_dma source(%arg3 : memref<10000xf32, #tpu.memory_space<hbm>>) target(%arg9 : memref<10000xf32, #tpu.memory_space<vmem>>) target_semaphore(%run_scoped3A : memref<!tpu.dma_semaphore, #tpu.memory_space<semaphore_mem>>)
      tpu.wait_dma2 semaphore(%run_scoped3A : memref<!tpu.dma_semaphore, #tpu.memory_space<semaphore_mem>>) src(%arg3 : memref<10000xf32, #tpu.memory_space<hbm>>) dst(%arg9 : memref<10000xf32, #tpu.memory_space<vmem>>)
      tpu.yield
    }) : () -> ()
    "tpu.region"() ({
      %run_scoped3A = tpu.sem_alloc : memref<!tpu.dma_semaphore, #tpu.memory_space<semaphore_mem>>
      %dma_start3A = tpu.memref_slice %arg5[%mul3A_2] : memref<320000xi32, #tpu.memory_space<hbm>> -> memref<10000xi32, #tpu.memory_space<hbm>>
      %dma_start3A_7 = tpu.memref_slice %arg5[%mul3A_2] : memref<320000xi32, #tpu.memory_space<hbm>> -> memref<10000xi32, #tpu.memory_space<hbm>>
      tpu.enqueue_dma source(%dma_start3A_7 : memref<10000xi32, #tpu.memory_space<hbm>>) target(%arg10 : memref<10000xi32, #tpu.memory_space<vmem>>) target_semaphore(%run_scoped3A : memref<!tpu.dma_semaphore, #tpu.memory_space<semaphore_mem>>)
      %dma_wait3A = tpu.memref_slice %arg5[%mul3A_2] : memref<320000xi32, #tpu.memory_space<hbm>> -> memref<10000xi32, #tpu.memory_space<hbm>>
      %dma_wait3A_8 = tpu.memref_slice %arg5[%mul3A_2] : memref<320000xi32, #tpu.memory_space<hbm>> -> memref<10000xi32, #tpu.memory_space<hbm>>
      tpu.wait_dma2 semaphore(%run_scoped3A : memref<!tpu.dma_semaphore, #tpu.memory_space<semaphore_mem>>) src(%dma_wait3A_8 : memref<10000xi32, #tpu.memory_space<hbm>>) dst(%arg10 : memref<10000xi32, #tpu.memory_space<vmem>>)
      tpu.yield
    }) : () -> ()
    "tpu.region"() ({
      %run_scoped3A = tpu.sem_alloc : memref<!tpu.dma_semaphore, #tpu.memory_space<semaphore_mem>>
      %dma_start3A = tpu.memref_slice %arg6[%mul3A_2] : memref<320000xi32, #tpu.memory_space<hbm>> -> memref<10000xi32, #tpu.memory_space<hbm>>
      %dma_start3A_7 = tpu.memref_slice %arg6[%mul3A_2] : memref<320000xi32, #tpu.memory_space<hbm>> -> memref<10000xi32, #tpu.memory_space<hbm>>
      tpu.enqueue_dma source(%dma_start3A_7 : memref<10000xi32, #tpu.memory_space<hbm>>) target(%arg11 : memref<10000xi32, #tpu.memory_space<vmem>>) target_semaphore(%run_scoped3A : memref<!tpu.dma_semaphore, #tpu.memory_space<semaphore_mem>>)
      %dma_wait3A = tpu.memref_slice %arg6[%mul3A_2] : memref<320000xi32, #tpu.memory_space<hbm>> -> memref<10000xi32, #tpu.memory_space<hbm>>
      %dma_wait3A_8 = tpu.memref_slice %arg6[%mul3A_2] : memref<320000xi32, #tpu.memory_space<hbm>> -> memref<10000xi32, #tpu.memory_space<hbm>>
      tpu.wait_dma2 semaphore(%run_scoped3A : memref<!tpu.dma_semaphore, #tpu.memory_space<semaphore_mem>>) src(%dma_wait3A_8 : memref<10000xi32, #tpu.memory_space<hbm>>) dst(%arg11 : memref<10000xi32, #tpu.memory_space<vmem>>)
      tpu.yield
    }) : () -> ()
    "tpu.region"() ({
      %run_scoped3A = tpu.sem_alloc : memref<!tpu.dma_semaphore, #tpu.memory_space<semaphore_mem>>
      %dma_start3A = tpu.memref_slice %arg4[%mul3A_2] : memref<320000xf32, #tpu.memory_space<hbm>> -> memref<10000xf32, #tpu.memory_space<hbm>>
      %dma_start3A_7 = tpu.memref_slice %arg4[%mul3A_2] : memref<320000xf32, #tpu.memory_space<hbm>> -> memref<10000xf32, #tpu.memory_space<hbm>>
      tpu.enqueue_dma source(%dma_start3A_7 : memref<10000xf32, #tpu.memory_space<hbm>>) target(%arg12 : memref<10000xf32, #tpu.memory_space<vmem>>) target_semaphore(%run_scoped3A : memref<!tpu.dma_semaphore, #tpu.memory_space<semaphore_mem>>)
      %dma_wait3A = tpu.memref_slice %arg4[%mul3A_2] : memref<320000xf32, #tpu.memory_space<hbm>> -> memref<10000xf32, #tpu.memory_space<hbm>>
      %dma_wait3A_8 = tpu.memref_slice %arg4[%mul3A_2] : memref<320000xf32, #tpu.memory_space<hbm>> -> memref<10000xf32, #tpu.memory_space<hbm>>
      tpu.wait_dma2 semaphore(%run_scoped3A : memref<!tpu.dma_semaphore, #tpu.memory_space<semaphore_mem>>) src(%dma_wait3A_8 : memref<10000xf32, #tpu.memory_space<hbm>>) dst(%arg12 : memref<10000xf32, #tpu.memory_space<vmem>>)
      tpu.yield
    }) : () -> ()
    %scan3A = arith.constant 0 : i32
    %scan3A_3 = arith.constant 625 : i32
    %scan3A_4 = arith.addi %scan3A, %scan3A_3 : i32
    %scan3A_5 = arith.constant 1 : i32
    scf.for %scan3A_7 = %scan3A to %scan3A_4 step %scan3A_5  : i32 {
      %mul3A_8 = arith.constant 16 : i32
      %mul3A_9 = arith.muli %scan3A_7, %mul3A_8 : i32
      %get3A = arith.index_cast %mul3A_9 : i32 to index
      %get3A_10 = tpu.vector_load %arg10[%get3A] {strides = array<i32>} : memref<10000xi32, #tpu.memory_space<vmem>>, vector<16xi32>,
      %gather3A = tpu.vector_load_idx %arg8[%get3A_10] : memref<10000xf32, #tpu.memory_space<vmem>>[vector<16xi32>], vector<16xf32>,
      %get3A_11 = arith.index_cast %mul3A_9 : i32 to index
      %get3A_12 = tpu.vector_load %arg11[%get3A_11] {strides = array<i32>} : memref<10000xi32, #tpu.memory_space<vmem>>, vector<16xi32>,
      %gather3A_13 = tpu.vector_load_idx %arg9[%get3A_12] : memref<10000xf32, #tpu.memory_space<vmem>>[vector<16xi32>], vector<16xf32>,
      %add3A_14 = arith.addf %gather3A, %gather3A_13 : vector<16xf32>
      %get3A_15 = arith.index_cast %mul3A_9 : i32 to index
      %get3A_16 = tpu.vector_load %arg12[%get3A_15] {strides = array<i32>} : memref<10000xf32, #tpu.memory_space<vmem>>, vector<16xf32>,
      %add3A_17 = arith.addf %add3A_14, %get3A_16 : vector<16xf32>
      %swap3A = arith.index_cast %mul3A_9 : i32 to index
      %swap3A_18 = tpu.vector_load %arg13[%swap3A] {strides = array<i32>} : memref<10000xf32, #tpu.memory_space<vmem>>, vector<16xf32>,
      tpu.vector_store %arg13[%swap3A], %add3A_17 {strides = array<i32>} : memref<10000xf32, #tpu.memory_space<vmem>>, vector<16xf32>,
    }
    %scan3A_6 = arith.constant 625 : i32
    "tpu.region"() ({
      %run_scoped3A = tpu.sem_alloc : memref<!tpu.dma_semaphore, #tpu.memory_space<semaphore_mem>>
      %dma_start3A = tpu.memref_slice %arg7[%mul3A_2] : memref<320000xf32, #tpu.memory_space<hbm>> -> memref<10000xf32, #tpu.memory_space<hbm>>
      %dma_start3A_7 = tpu.memref_slice %arg7[%mul3A_2] : memref<320000xf32, #tpu.memory_space<hbm>> -> memref<10000xf32, #tpu.memory_space<hbm>>
      tpu.enqueue_dma source(%arg13 : memref<10000xf32, #tpu.memory_space<vmem>>) target(%dma_start3A_7 : memref<10000xf32, #tpu.memory_space<hbm>>) target_semaphore(%run_scoped3A : memref<!tpu.dma_semaphore, #tpu.memory_space<semaphore_mem>>)
      %dma_wait3A = tpu.memref_slice %arg7[%mul3A_2] : memref<320000xf32, #tpu.memory_space<hbm>> -> memref<10000xf32, #tpu.memory_space<hbm>>
      %dma_wait3A_8 = tpu.memref_slice %arg7[%mul3A_2] : memref<320000xf32, #tpu.memory_space<hbm>> -> memref<10000xf32, #tpu.memory_space<hbm>>
      tpu.wait_dma2 semaphore(%run_scoped3A : memref<!tpu.dma_semaphore, #tpu.memory_space<semaphore_mem>>) src(%arg13 : memref<10000xf32, #tpu.memory_space<vmem>>) dst(%dma_wait3A_8 : memref<10000xf32, #tpu.memory_space<hbm>>)
      tpu.yield
    }) : () -> ()
    return
  }
}

#map = affine_map<(d0, d1) -> (0)>
module attributes {stable_mosaic.version = 14 : i64} {
  func.func @_deg_kernel(%arg0: i32, %arg1: i32, %arg2: memref<320000xi32, #tpu.memory_space<hbm>>, %arg3: memref<10000xf32, #tpu.memory_space<hbm>>, %arg4: memref<320000xf32, #tpu.memory_space<hbm>>, %arg5: memref<10000xf32, #tpu.memory_space<vmem>>, %arg6: memref<10000xi32, #tpu.memory_space<vmem>>) attributes {dimension_semantics = [#tpu.dimension_semantics<core_parallel>, #tpu.dimension_semantics<subcore_parallel>], iteration_bounds = array<i64: 2, 16>, scalar_prefetch = 0 : i64, scratch_operands = 2 : i64, tpu.core_type = #tpu.core_type<sc_vector_subcore>, window_params = [{transform_indices = #map}, {transform_indices = #map}, {transform_indices = #map}]} {
    %mul3A = arith.constant 2 : i32
    %mul3A_0 = arith.muli %arg1, %mul3A : i32
    %add3A = arith.addi %mul3A_0, %arg0 : i32
    "tpu.region"() ({
      %run_scoped3A = tpu.sem_alloc : memref<!tpu.dma_semaphore, #tpu.memory_space<semaphore_mem>>
      tpu.enqueue_dma source(%arg3 : memref<10000xf32, #tpu.memory_space<hbm>>) target(%arg5 : memref<10000xf32, #tpu.memory_space<vmem>>) target_semaphore(%run_scoped3A : memref<!tpu.dma_semaphore, #tpu.memory_space<semaphore_mem>>)
      tpu.wait_dma2 semaphore(%run_scoped3A : memref<!tpu.dma_semaphore, #tpu.memory_space<semaphore_mem>>) src(%arg3 : memref<10000xf32, #tpu.memory_space<hbm>>) dst(%arg5 : memref<10000xf32, #tpu.memory_space<vmem>>)
      tpu.yield
    }) : () -> ()
    %mul3A_1 = arith.constant 10000 : i32
    %mul3A_2 = arith.muli %add3A, %mul3A_1 : i32
    "tpu.region"() ({
      %run_scoped3A = tpu.sem_alloc : memref<!tpu.dma_semaphore, #tpu.memory_space<semaphore_mem>>
      %dma_start3A = tpu.memref_slice %arg2[%mul3A_2] : memref<320000xi32, #tpu.memory_space<hbm>> -> memref<10000xi32, #tpu.memory_space<hbm>>
      %dma_start3A_18 = tpu.memref_slice %arg2[%mul3A_2] : memref<320000xi32, #tpu.memory_space<hbm>> -> memref<10000xi32, #tpu.memory_space<hbm>>
      tpu.enqueue_dma source(%dma_start3A_18 : memref<10000xi32, #tpu.memory_space<hbm>>) target(%arg6 : memref<10000xi32, #tpu.memory_space<vmem>>) target_semaphore(%run_scoped3A : memref<!tpu.dma_semaphore, #tpu.memory_space<semaphore_mem>>)
      %dma_wait3A = tpu.memref_slice %arg2[%mul3A_2] : memref<320000xi32, #tpu.memory_space<hbm>> -> memref<10000xi32, #tpu.memory_space<hbm>>
      %dma_wait3A_19 = tpu.memref_slice %arg2[%mul3A_2] : memref<320000xi32, #tpu.memory_space<hbm>> -> memref<10000xi32, #tpu.memory_space<hbm>>
      tpu.wait_dma2 semaphore(%run_scoped3A : memref<!tpu.dma_semaphore, #tpu.memory_space<semaphore_mem>>) src(%dma_wait3A_19 : memref<10000xi32, #tpu.memory_space<hbm>>) dst(%arg6 : memref<10000xi32, #tpu.memory_space<vmem>>)
      tpu.yield
    }) : () -> ()
    %iota3A = tpu.iota {dimensions = array<i32: 0>} : vector<16xi32>
    %sub3A = arith.constant 1 : i32
    %sub3A_3 = vector.broadcast %sub3A : i32 to vector<16xi32>
    %sub3A_4 = arith.subi %iota3A, %sub3A_3 : vector<16xi32>
    %max3A = arith.constant 0 : i32
    %max3A_5 = vector.broadcast %max3A : i32 to vector<16xi32>
    %max3A_6 = arith.maxsi %sub3A_4, %max3A_5 : vector<16xi32>
    %add3A_7 = arith.constant 1 : i32
    %add3A_8 = vector.broadcast %add3A_7 : i32 to vector<16xi32>
    %add3A_9 = arith.addi %iota3A, %add3A_8 : vector<16xi32>
    %min3A = arith.constant 15 : i32
    %min3A_10 = vector.broadcast %min3A : i32 to vector<16xi32>
    %min3A_11 = arith.minsi %add3A_9, %min3A_10 : vector<16xi32>
    %scan3A = arith.constant 0 : i32
    %scan3A_12 = arith.constant 625 : i32
    %scan3A_13 = arith.addi %scan3A, %scan3A_12 : i32
    %scan3A_14 = arith.constant 1 : i32
    scf.for %scan3A_18 = %scan3A to %scan3A_13 step %scan3A_14  : i32 {
      %mul3A_19 = arith.constant 16 : i32
      %mul3A_20 = arith.muli %scan3A_18, %mul3A_19 : i32
      %get3A = arith.index_cast %mul3A_20 : i32 to index
      %get3A_21 = tpu.vector_load %arg6[%get3A] {strides = array<i32>} : memref<10000xi32, #tpu.memory_space<vmem>>, vector<16xi32>,
      %sort3A = arith.constant dense<true> : vector<16xi1>
      %sort3A_22, %sort3A_23, %sort3A_24 = tpu.sort %get3A_21, %get3A_21 masked %sort3A : (vector<16xi32>, vector<16xi32>, vector<16xi1>) -> (vector<16xi1>, vector<16xi32>, vector<16xi32>)
      %broadcast_in_dim3A = vector.shape_cast %max3A_6 : vector<16xi32> to vector<16x1xi32>
      %gather3A = vector.shape_cast %broadcast_in_dim3A : vector<16x1xi32> to vector<16xi32>
      %gather3A_25 = tpu.dynamic_gather %sort3A_23[%gather3A] in [0] : vector<16xi32>, vector<16xi32> -> vector<16xi32>
      %broadcast_in_dim3A_26 = vector.shape_cast %min3A_11 : vector<16xi32> to vector<16x1xi32>
      %gather3A_27 = vector.shape_cast %broadcast_in_dim3A_26 : vector<16x1xi32> to vector<16xi32>
      %gather3A_28 = tpu.dynamic_gather %sort3A_23[%gather3A_27] in [0] : vector<16xi32>, vector<16xi32> -> vector<16xi32>
      %ne3A = arith.cmpi ne, %sort3A_23, %gather3A_25 : vector<16xi32>
      %eq3A = arith.constant 0 : i32
      %eq3A_29 = vector.broadcast %eq3A : i32 to vector<16xi32>
      %eq3A_30 = arith.cmpi eq, %iota3A, %eq3A_29 : vector<16xi32>
      %or3A = arith.ori %ne3A, %eq3A_30 : vector<16xi1>
      %ne3A_31 = arith.cmpi ne, %sort3A_23, %gather3A_28 : vector<16xi32>
      %eq3A_32 = arith.constant 15 : i32
      %eq3A_33 = vector.broadcast %eq3A_32 : i32 to vector<16xi32>
      %eq3A_34 = arith.cmpi eq, %iota3A, %eq3A_33 : vector<16xi32>
      %or3A_35 = arith.ori %ne3A_31, %eq3A_34 : vector<16xi1>
      %jit3A = arith.constant 0 : i32
      %broadcast_in_dim3A_36 = vector.broadcast %jit3A : i32 to vector<16xi32>
      %select_n3A = arith.select %or3A, %iota3A, %broadcast_in_dim3A_36 : vector<16xi1>, vector<16xi32>
      %broadcast_in_dim3A_37 = arith.constant true
      %broadcast_in_dim3A_38 = vector.broadcast %broadcast_in_dim3A_37 : i1 to vector<16xi1>
      %masked_cummax3A = arith.constant -2147483648 : i32
      %masked_cummax3A_39 = vector.broadcast %masked_cummax3A : i32 to vector<16xi32>
      %masked_cummax3A_40 = arith.xori %select_n3A, %masked_cummax3A_39 : vector<16xi32>
      %masked_cummax3A_41 = tpu.scan <max>, %masked_cummax3A_40 masked %broadcast_in_dim3A_38 : vector<16xi32>, vector<16xi1> -> vector<16xi32>
      %masked_cummax3A_42 = arith.xori %masked_cummax3A_41, %masked_cummax3A_39 : vector<16xi32>
      %sub3A_43 = arith.subi %iota3A, %masked_cummax3A_42 : vector<16xi32>
      %add3A_44 = arith.constant 1 : i32
      %add3A_45 = vector.broadcast %add3A_44 : i32 to vector<16xi32>
      %add3A_46 = arith.addi %sub3A_43, %add3A_45 : vector<16xi32>
      %convert_element_type3A = arith.sitofp %add3A_46 : vector<16xi32> to vector<16xf32>
      tpu.vector_store_idx %arg5[%sort3A_23], %convert_element_type3A masked %or3A_35 {add = true} : memref<10000xf32, #tpu.memory_space<vmem>>[vector<16xi32>], vector<16xf32>, vector<16xi1>
    }
    %scan3A_15 = arith.constant 625 : i32
    %mul3A_16 = arith.constant 10000 : i32
    %mul3A_17 = arith.muli %add3A, %mul3A_16 : i32
    "tpu.region"() ({
      %run_scoped3A = tpu.sem_alloc : memref<!tpu.dma_semaphore, #tpu.memory_space<semaphore_mem>>
      %dma_start3A = tpu.memref_slice %arg4[%mul3A_17] : memref<320000xf32, #tpu.memory_space<hbm>> -> memref<10000xf32, #tpu.memory_space<hbm>>
      %dma_start3A_18 = tpu.memref_slice %arg4[%mul3A_17] : memref<320000xf32, #tpu.memory_space<hbm>> -> memref<10000xf32, #tpu.memory_space<hbm>>
      tpu.enqueue_dma source(%arg5 : memref<10000xf32, #tpu.memory_space<vmem>>) target(%dma_start3A_18 : memref<10000xf32, #tpu.memory_space<hbm>>) target_semaphore(%run_scoped3A : memref<!tpu.dma_semaphore, #tpu.memory_space<semaphore_mem>>)
      %dma_wait3A = tpu.memref_slice %arg4[%mul3A_17] : memref<320000xf32, #tpu.memory_space<hbm>> -> memref<10000xf32, #tpu.memory_space<hbm>>
      %dma_wait3A_19 = tpu.memref_slice %arg4[%mul3A_17] : memref<320000xf32, #tpu.memory_space<hbm>> -> memref<10000xf32, #tpu.memory_space<hbm>>
      tpu.wait_dma2 semaphore(%run_scoped3A : memref<!tpu.dma_semaphore, #tpu.memory_space<semaphore_mem>>) src(%arg5 : memref<10000xf32, #tpu.memory_space<vmem>>) dst(%dma_wait3A_19 : memref<10000xf32, #tpu.memory_space<hbm>>)
      tpu.yield
    }) : () -> ()
    return
  }
}

module attributes {stable_mosaic.version = 14 : i64} {
  func.func @_tc1a_body(%arg0: memref<10000x128xf32, #tpu.memory_space<vmem>>, %arg1: memref<128x128xf32, #tpu.memory_space<vmem>>, %arg2: memref<128xf32, #tpu.memory_space<vmem>>, %arg3: memref<128x16xf32, #tpu.memory_space<vmem>>, %arg4: memref<16xf32, #tpu.memory_space<vmem>>, %arg5: memref<16x16xf32, #tpu.memory_space<vmem>>, %arg6: memref<10000x16xf32, #tpu.memory_space<vmem>>) attributes {dimension_semantics = [], scalar_prefetch = 0 : i64, scratch_operands = 0 : i64, tpu.core_type = #tpu.core_type<tc>} {
    %get3A = arith.constant 0 : index
    %get3A_0 = arith.constant 0 : index
    %get3A_1 = vector.load %arg0[%get3A, %get3A_0] : memref<10000x128xf32, #tpu.memory_space<vmem>>, vector<10000x128xf32>
    %get3A_2 = arith.constant 0 : index
    %get3A_3 = arith.constant 0 : index
    %get3A_4 = vector.load %arg1[%get3A_2, %get3A_3] : memref<128x128xf32, #tpu.memory_space<vmem>>, vector<128x128xf32>
    %dot_general3A = arith.constant dense<0.000000e+00> : vector<10000x128xf32>
    %dot_general3A_5 = tpu.matmul %get3A_1, %get3A_4, %dot_general3A {dimension_numbers = #tpu.dot_dimension_numbers<[1], [0], [0], [1], [0, 0, 1, 1], [], []>, transpose_lhs_hint = false} : vector<10000x128xf32>, vector<128x128xf32>, vector<10000x128xf32> -> vector<10000x128xf32>
    %get3A_6 = arith.constant 0 : index
    %get3A_7 = vector.load %arg2[%get3A_6] : memref<128xf32, #tpu.memory_space<vmem>>, vector<128xf32>
    %broadcast_in_dim3A = vector.shape_cast %get3A_7 : vector<128xf32> to vector<1x128xf32>
    %add3A = vector.broadcast %broadcast_in_dim3A : vector<1x128xf32> to vector<10000x128xf32>
    %add3A_8 = arith.addf %dot_general3A_5, %add3A : vector<10000x128xf32>
    %ge3A = arith.constant 0.000000e+00 : f32
    %ge3A_9 = vector.broadcast %ge3A : f32 to vector<10000x128xf32>
    %ge3A_10 = arith.cmpf oge, %add3A_8, %ge3A_9 : vector<10000x128xf32>
    %mul3A = arith.constant 0.00999999977 : f32
    %mul3A_11 = vector.broadcast %mul3A : f32 to vector<10000x128xf32>
    %mul3A_12 = arith.mulf %mul3A_11, %add3A_8 : vector<10000x128xf32>
    %select_n3A = arith.select %ge3A_10, %add3A_8, %mul3A_12 : vector<10000x128xi1>, vector<10000x128xf32>
    %get3A_13 = arith.constant 0 : index
    %get3A_14 = arith.constant 0 : index
    %get3A_15 = vector.load %arg3[%get3A_13, %get3A_14] : memref<128x16xf32, #tpu.memory_space<vmem>>, vector<128x16xf32>
    %dot_general3A_16 = arith.constant dense<0.000000e+00> : vector<10000x16xf32>
    %dot_general3A_17 = tpu.matmul %select_n3A, %get3A_15, %dot_general3A_16 {dimension_numbers = #tpu.dot_dimension_numbers<[1], [0], [0], [1], [0, 0, 1, 1], [], []>, transpose_lhs_hint = false} : vector<10000x128xf32>, vector<128x16xf32>, vector<10000x16xf32> -> vector<10000x16xf32>
    %get3A_18 = arith.constant 0 : index
    %get3A_19 = vector.load %arg4[%get3A_18] : memref<16xf32, #tpu.memory_space<vmem>>, vector<16xf32>
    %broadcast_in_dim3A_20 = vector.shape_cast %get3A_19 : vector<16xf32> to vector<1x16xf32>
    %add3A_21 = vector.broadcast %broadcast_in_dim3A_20 : vector<1x16xf32> to vector<10000x16xf32>
    %add3A_22 = arith.addf %dot_general3A_17, %add3A_21 : vector<10000x16xf32>
    %ge3A_23 = arith.constant 0.000000e+00 : f32
    %ge3A_24 = vector.broadcast %ge3A_23 : f32 to vector<10000x16xf32>
    %ge3A_25 = arith.cmpf oge, %add3A_22, %ge3A_24 : vector<10000x16xf32>
    %mul3A_26 = arith.constant 0.00999999977 : f32
    %mul3A_27 = vector.broadcast %mul3A_26 : f32 to vector<10000x16xf32>
    %mul3A_28 = arith.mulf %mul3A_27, %add3A_22 : vector<10000x16xf32>
    %select_n3A_29 = arith.select %ge3A_25, %add3A_22, %mul3A_28 : vector<10000x16xi1>, vector<10000x16xf32>
    %get3A_30 = arith.constant 0 : index
    %get3A_31 = arith.constant 0 : index
    %get3A_32 = vector.load %arg5[%get3A_30, %get3A_31] : memref<16x16xf32, #tpu.memory_space<vmem>>, vector<16x16xf32>
    %dot_general3A_33 = arith.constant dense<0.000000e+00> : vector<10000x16xf32>
    %dot_general3A_34 = tpu.matmul %select_n3A_29, %get3A_32, %dot_general3A_33 {dimension_numbers = #tpu.dot_dimension_numbers<[1], [0], [0], [1], [0, 0, 1, 1], [], []>, transpose_lhs_hint = false} : vector<10000x16xf32>, vector<16x16xf32>, vector<10000x16xf32> -> vector<10000x16xf32>
    %swap3A = arith.constant 0 : index
    %swap3A_35 = arith.constant 0 : index
    %swap3A_36 = vector.load %arg6[%swap3A, %swap3A_35] : memref<10000x16xf32, #tpu.memory_space<vmem>>, vector<10000x16xf32>
    tpu.vector_store %arg6[%swap3A, %swap3A_35], %dot_general3A_34 {strides = array<i32>} : memref<10000x16xf32, #tpu.memory_space<vmem>>, vector<10000x16xf32>,
    return
  }
}

module attributes {stable_mosaic.version = 14 : i64} {
  func.func @_tc1b_body(%arg0: memref<10000x16xf32, #tpu.memory_space<vmem>>, %arg1: memref<32x10000xf32, #tpu.memory_space<vmem>>, %arg2: memref<10240x16xf32, #tpu.memory_space<vmem>>, %arg3: memref<10240xf32, #tpu.memory_space<vmem>>) attributes {dimension_semantics = [], scalar_prefetch = 0 : i64, scratch_operands = 0 : i64, tpu.core_type = #tpu.core_type<tc>} {
    %get3A = arith.constant 0 : index
    %get3A_0 = arith.constant 0 : index
    %get3A_1 = vector.load %arg1[%get3A, %get3A_0] : memref<32x10000xf32, #tpu.memory_space<vmem>>, vector<32x10000xf32>
    %reduce_sum3A = arith.constant dense<0.000000e+00> : vector<10000xf32>
    %reduce_sum3A_2 = vector.multi_reduction <add>, %get3A_1, %reduce_sum3A [0] : vector<32x10000xf32> to vector<10000xf32>
    %add3A = arith.constant 1.000000e+00 : f32
    %add3A_3 = vector.broadcast %add3A : f32 to vector<10000xf32>
    %add3A_4 = arith.addf %reduce_sum3A_2, %add3A_3 : vector<10000xf32>
    %rsqrt3A = math.rsqrt %add3A_4 : vector<10000xf32>
    %get3A_5 = arith.constant 0 : index
    %get3A_6 = arith.constant 0 : index
    %get3A_7 = vector.load %arg0[%get3A_5, %get3A_6] : memref<10000x16xf32, #tpu.memory_space<vmem>>, vector<10000x16xf32>
    %broadcast_in_dim3A = vector.shape_cast %rsqrt3A : vector<10000xf32> to vector<10000x1xf32>
    %mul3A = vector.broadcast %broadcast_in_dim3A : vector<10000x1xf32> to vector<10000x16xf32>
    %mul3A_8 = arith.mulf %get3A_7, %mul3A : vector<10000x16xf32>
    %swap3A = arith.constant 0 : index
    %swap3A_9 = arith.constant 0 : index
    %swap3A_10 = vector.load %arg2[%swap3A, %swap3A_9] : memref<10240x16xf32, #tpu.memory_space<vmem>>, vector<10000x16xf32>
    tpu.vector_store %arg2[%swap3A, %swap3A_9], %mul3A_8 {strides = array<i32>} : memref<10240x16xf32, #tpu.memory_space<vmem>>, vector<10000x16xf32>,
    %swap3A_11 = arith.constant 0 : index
    %swap3A_12 = vector.load %arg3[%swap3A_11] : memref<10240xf32, #tpu.memory_space<vmem>>, vector<10000xf32>
    tpu.vector_store %arg3[%swap3A_11], %rsqrt3A {strides = array<i32>} : memref<10240xf32, #tpu.memory_space<vmem>>, vector<10000xf32>,
    return
  }
}

module attributes {stable_mosaic.version = 14 : i64} {
  func.func @_tc2_body(%arg0: memref<2x10240x16xf32, #tpu.memory_space<vmem>>, %arg1: memref<10240x16xf32, #tpu.memory_space<vmem>>, %arg2: memref<10240xf32, #tpu.memory_space<vmem>>, %arg3: memref<16x16xf32, #tpu.memory_space<vmem>>, %arg4: memref<16xf32, #tpu.memory_space<vmem>>, %arg5: memref<10240x16xf32, #tpu.memory_space<vmem>>) attributes {dimension_semantics = [], scalar_prefetch = 0 : i64, scratch_operands = 0 : i64, tpu.core_type = #tpu.core_type<tc>} {
    %get3A = arith.constant 0 : index
    %get3A_0 = vector.load %arg2[%get3A] : memref<10240xf32, #tpu.memory_space<vmem>>, vector<10240xf32>
    %get3A_1 = arith.constant 0 : index
    %get3A_2 = arith.constant 0 : index
    %get3A_3 = arith.constant 0 : index
    %get3A_4 = vector.load %arg0[%get3A_1, %get3A_2, %get3A_3] : memref<2x10240x16xf32, #tpu.memory_space<vmem>>, vector<1x10240x16xf32>
    %get3A_5 = vector.shape_cast %get3A_4 : vector<1x10240x16xf32> to vector<10240x16xf32>
    %get3A_6 = arith.constant 1 : index
    %get3A_7 = arith.constant 0 : index
    %get3A_8 = arith.constant 0 : index
    %get3A_9 = vector.load %arg0[%get3A_6, %get3A_7, %get3A_8] : memref<2x10240x16xf32, #tpu.memory_space<vmem>>, vector<1x10240x16xf32>
    %get3A_10 = vector.shape_cast %get3A_9 : vector<1x10240x16xf32> to vector<10240x16xf32>
    %add3A = arith.addf %get3A_5, %get3A_10 : vector<10240x16xf32>
    %get3A_11 = arith.constant 0 : index
    %get3A_12 = arith.constant 0 : index
    %get3A_13 = vector.load %arg1[%get3A_11, %get3A_12] : memref<10240x16xf32, #tpu.memory_space<vmem>>, vector<10240x16xf32>
    %add3A_14 = arith.addf %add3A, %get3A_13 : vector<10240x16xf32>
    %broadcast_in_dim3A = vector.shape_cast %get3A_0 : vector<10240xf32> to vector<10240x1xf32>
    %mul3A = vector.broadcast %broadcast_in_dim3A : vector<10240x1xf32> to vector<10240x16xf32>
    %mul3A_15 = arith.mulf %add3A_14, %mul3A : vector<10240x16xf32>
    %get3A_16 = arith.constant 0 : index
    %get3A_17 = vector.load %arg4[%get3A_16] : memref<16xf32, #tpu.memory_space<vmem>>, vector<16xf32>
    %broadcast_in_dim3A_18 = vector.shape_cast %get3A_17 : vector<16xf32> to vector<1x16xf32>
    %add3A_19 = vector.broadcast %broadcast_in_dim3A_18 : vector<1x16xf32> to vector<10240x16xf32>
    %add3A_20 = arith.addf %mul3A_15, %add3A_19 : vector<10240x16xf32>
    %ge3A = arith.constant 0.000000e+00 : f32
    %ge3A_21 = vector.broadcast %ge3A : f32 to vector<10240x16xf32>
    %ge3A_22 = arith.cmpf oge, %add3A_20, %ge3A_21 : vector<10240x16xf32>
    %mul3A_23 = arith.constant 0.00999999977 : f32
    %mul3A_24 = vector.broadcast %mul3A_23 : f32 to vector<10240x16xf32>
    %mul3A_25 = arith.mulf %mul3A_24, %add3A_20 : vector<10240x16xf32>
    %select_n3A = arith.select %ge3A_22, %add3A_20, %mul3A_25 : vector<10240x16xi1>, vector<10240x16xf32>
    %get3A_26 = arith.constant 0 : index
    %get3A_27 = arith.constant 0 : index
    %get3A_28 = vector.load %arg3[%get3A_26, %get3A_27] : memref<16x16xf32, #tpu.memory_space<vmem>>, vector<16x16xf32>
    %dot_general3A = arith.constant dense<0.000000e+00> : vector<10240x16xf32>
    %dot_general3A_29 = tpu.matmul %select_n3A, %get3A_28, %dot_general3A {dimension_numbers = #tpu.dot_dimension_numbers<[1], [0], [0], [1], [0, 0, 1, 1], [], []>, transpose_lhs_hint = false} : vector<10240x16xf32>, vector<16x16xf32>, vector<10240x16xf32> -> vector<10240x16xf32>
    %broadcast_in_dim3A_30 = vector.shape_cast %get3A_0 : vector<10240xf32> to vector<10240x1xf32>
    %mul3A_31 = vector.broadcast %broadcast_in_dim3A_30 : vector<10240x1xf32> to vector<10240x16xf32>
    %mul3A_32 = arith.mulf %dot_general3A_29, %mul3A_31 : vector<10240x16xf32>
    %swap3A = arith.constant 0 : index
    %swap3A_33 = arith.constant 0 : index
    %swap3A_34 = vector.load %arg5[%swap3A, %swap3A_33] : memref<10240x16xf32, #tpu.memory_space<vmem>>, vector<10240x16xf32>
    tpu.vector_store %arg5[%swap3A, %swap3A_33], %mul3A_32 {strides = array<i32>} : memref<10240x16xf32, #tpu.memory_space<vmem>>, vector<10240x16xf32>,
    return
  }
}

module attributes {stable_mosaic.version = 14 : i64} {
  func.func @_tc4_body(%arg0: i32, %arg1: memref<16x32000xf32, #tpu.memory_space<vmem>>, %arg2: memref<16xf32, #tpu.memory_space<vmem>>, %arg3: memref<1xf32, #tpu.memory_space<vmem>>, %arg4: memref<320000xf32, #tpu.memory_space<vmem>>) attributes {dimension_semantics = [#tpu.dimension_semantics<arbitrary>], iteration_bounds = array<i64: 10>, scalar_prefetch = 0 : i64, scratch_operands = 0 : i64, tpu.core_type = #tpu.core_type<tc>, window_params = [{transform_indices = @transform_0, window_bounds = array<i64: 16, 32000>}, {pipeline_mode = #tpu.pipeline_mode<synchronous>, transform_indices = @transform_1, window_bounds = array<i64: 16>}, {pipeline_mode = #tpu.pipeline_mode<synchronous>, transform_indices = @transform_2, window_bounds = array<i64: 1>}, {pipeline_mode = #tpu.pipeline_mode<synchronous>, transform_indices = @transform_3, window_bounds = array<i64: 320000>}]} {
    %get3A = arith.constant 0 : index
    %get3A_0 = arith.constant 0 : index
    %get3A_1 = vector.load %arg1[%get3A, %get3A_0] : memref<16x32000xf32, #tpu.memory_space<vmem>>, vector<16x32000xf32>
    %get3A_2 = arith.constant 0 : index
    %get3A_3 = vector.load %arg2[%get3A_2] : memref<16xf32, #tpu.memory_space<vmem>>, vector<16xf32>
    %broadcast_in_dim3A = vector.shape_cast %get3A_3 : vector<16xf32> to vector<16x1xf32>
    %mul3A = vector.broadcast %broadcast_in_dim3A : vector<16x1xf32> to vector<16x32000xf32>
    %mul3A_4 = arith.mulf %get3A_1, %mul3A : vector<16x32000xf32>
    %reduce_sum3A = arith.constant dense<0.000000e+00> : vector<32000xf32>
    %reduce_sum3A_5 = vector.multi_reduction <add>, %mul3A_4, %reduce_sum3A [0] : vector<16x32000xf32> to vector<32000xf32>
    %get3A_6 = arith.constant 0 : index
    %get3A_7 = vector.load %arg3[%get3A_6] : memref<1xf32, #tpu.memory_space<vmem>>, vector<1xf32>
    %get3A_8 = vector.extract %get3A_7[0] : f32 from vector<1xf32>
    %add3A = vector.broadcast %get3A_8 : f32 to vector<32000xf32>
    %add3A_9 = arith.addf %reduce_sum3A_5, %add3A : vector<32000xf32>
    %mul3A_10 = arith.constant 32000 : i32
    %mul3A_11 = arith.muli %arg0, %mul3A_10 : i32
    %swap3A = arith.index_cast %mul3A_11 : i32 to index
    %swap3A_12 = vector.load %arg4[%swap3A] : memref<320000xf32, #tpu.memory_space<vmem>>, vector<32000xf32>
    tpu.vector_store %arg4[%swap3A], %add3A_9 {strides = array<i32>} : memref<320000xf32, #tpu.memory_space<vmem>>, vector<32000xf32>,
    return
  }
  func.func @transform_0(%arg0: i32) -> (i32, i32) {
    %c0_i32 = arith.constant 0 : i32
    %c0_i32_0 = arith.constant 0 : i32
    return %c0_i32, %arg0 : i32, i32
  }
  func.func @transform_1(%arg0: i32) -> i32 {
    %c0_i32 = arith.constant 0 : i32
    %c0_i32_0 = arith.constant 0 : i32
    return %c0_i32 : i32
  }
  func.func @transform_2(%arg0: i32) -> i32 {
    %c0_i32 = arith.constant 0 : i32
    %c0_i32_0 = arith.constant 0 : i32
    return %c0_i32 : i32
  }
  func.func @transform_3(%arg0: i32) -> i32 {
    %c0_i32 = arith.constant 0 : i32
    %c0_i32_0 = arith.constant 0 : i32
    return %c0_i32 : i32
  }
}

module attributes {stable_mosaic.version = 14 : i64} {
  func.func @_tc3_body(%arg0: memref<2x10240x16xf32, #tpu.memory_space<vmem>>, %arg1: memref<10240x16xf32, #tpu.memory_space<vmem>>, %arg2: memref<10240xf32, #tpu.memory_space<vmem>>, %arg3: memref<16xf32, #tpu.memory_space<vmem>>, %arg4: memref<16xf32, #tpu.memory_space<vmem>>, %arg5: memref<16xf32, #tpu.memory_space<vmem>>, %arg6: memref<10000x16xf32, #tpu.memory_space<vmem>>, %arg7: memref<10000xf32, #tpu.memory_space<vmem>>, %arg8: memref<10000xf32, #tpu.memory_space<vmem>>) attributes {dimension_semantics = [], scalar_prefetch = 0 : i64, scratch_operands = 0 : i64, tpu.core_type = #tpu.core_type<tc>} {
    %get3A = arith.constant 0 : index
    %get3A_0 = vector.load %arg2[%get3A] : memref<10240xf32, #tpu.memory_space<vmem>>, vector<10240xf32>
    %get3A_1 = arith.constant 0 : index
    %get3A_2 = arith.constant 0 : index
    %get3A_3 = arith.constant 0 : index
    %get3A_4 = vector.load %arg0[%get3A_1, %get3A_2, %get3A_3] : memref<2x10240x16xf32, #tpu.memory_space<vmem>>, vector<1x10240x16xf32>
    %get3A_5 = vector.shape_cast %get3A_4 : vector<1x10240x16xf32> to vector<10240x16xf32>
    %get3A_6 = arith.constant 1 : index
    %get3A_7 = arith.constant 0 : index
    %get3A_8 = arith.constant 0 : index
    %get3A_9 = vector.load %arg0[%get3A_6, %get3A_7, %get3A_8] : memref<2x10240x16xf32, #tpu.memory_space<vmem>>, vector<1x10240x16xf32>
    %get3A_10 = vector.shape_cast %get3A_9 : vector<1x10240x16xf32> to vector<10240x16xf32>
    %add3A = arith.addf %get3A_5, %get3A_10 : vector<10240x16xf32>
    %get3A_11 = arith.constant 0 : index
    %get3A_12 = arith.constant 0 : index
    %get3A_13 = vector.load %arg1[%get3A_11, %get3A_12] : memref<10240x16xf32, #tpu.memory_space<vmem>>, vector<10240x16xf32>
    %add3A_14 = arith.addf %add3A, %get3A_13 : vector<10240x16xf32>
    %broadcast_in_dim3A = vector.shape_cast %get3A_0 : vector<10240xf32> to vector<10240x1xf32>
    %mul3A = vector.broadcast %broadcast_in_dim3A : vector<10240x1xf32> to vector<10240x16xf32>
    %mul3A_15 = arith.mulf %add3A_14, %mul3A : vector<10240x16xf32>
    %get3A_16 = arith.constant 0 : index
    %get3A_17 = vector.load %arg3[%get3A_16] : memref<16xf32, #tpu.memory_space<vmem>>, vector<16xf32>
    %broadcast_in_dim3A_18 = vector.shape_cast %get3A_17 : vector<16xf32> to vector<1x16xf32>
    %add3A_19 = vector.broadcast %broadcast_in_dim3A_18 : vector<1x16xf32> to vector<10240x16xf32>
    %add3A_20 = arith.addf %mul3A_15, %add3A_19 : vector<10240x16xf32>
    %ge3A = arith.constant 0.000000e+00 : f32
    %ge3A_21 = vector.broadcast %ge3A : f32 to vector<10240x16xf32>
    %ge3A_22 = arith.cmpf oge, %add3A_20, %ge3A_21 : vector<10240x16xf32>
    %mul3A_23 = arith.constant 0.00999999977 : f32
    %mul3A_24 = vector.broadcast %mul3A_23 : f32 to vector<10240x16xf32>
    %mul3A_25 = arith.mulf %mul3A_24, %add3A_20 : vector<10240x16xf32>
    %select_n3A = arith.select %ge3A_22, %add3A_20, %mul3A_25 : vector<10240x16xi1>, vector<10240x16xf32>
    %slice3A = vector.extract_strided_slice %select_n3A {offsets = [0, 0], sizes = [10000, 16], strides = [1, 1]} : vector<10240x16xf32> to vector<10000x16xf32>
    %swap3A = arith.constant 0 : index
    %swap3A_26 = arith.constant 0 : index
    %swap3A_27 = vector.load %arg6[%swap3A, %swap3A_26] : memref<10000x16xf32, #tpu.memory_space<vmem>>, vector<10000x16xf32>
    tpu.vector_store %arg6[%swap3A, %swap3A_26], %slice3A {strides = array<i32>} : memref<10000x16xf32, #tpu.memory_space<vmem>>, vector<10000x16xf32>,
    %get3A_28 = arith.constant 0 : index
    %get3A_29 = vector.load %arg4[%get3A_28] : memref<16xf32, #tpu.memory_space<vmem>>, vector<16xf32>
    %broadcast_in_dim3A_30 = vector.shape_cast %get3A_29 : vector<16xf32> to vector<1x16xf32>
    %mul3A_31 = vector.broadcast %broadcast_in_dim3A_30 : vector<1x16xf32> to vector<10240x16xf32>
    %mul3A_32 = arith.mulf %select_n3A, %mul3A_31 : vector<10240x16xf32>
    %reduce_sum3A = arith.constant dense<0.000000e+00> : vector<10240xf32>
    %reduce_sum3A_33 = vector.multi_reduction <add>, %mul3A_32, %reduce_sum3A [1] : vector<10240x16xf32> to vector<10240xf32>
    %slice3A_34 = vector.extract_strided_slice %reduce_sum3A_33 {offsets = [0], sizes = [10000], strides = [1]} : vector<10240xf32> to vector<10000xf32>
    %swap3A_35 = arith.constant 0 : index
    %swap3A_36 = vector.load %arg7[%swap3A_35] : memref<10000xf32, #tpu.memory_space<vmem>>, vector<10000xf32>
    tpu.vector_store %arg7[%swap3A_35], %slice3A_34 {strides = array<i32>} : memref<10000xf32, #tpu.memory_space<vmem>>, vector<10000xf32>,
    %get3A_37 = arith.constant 0 : index
    %get3A_38 = vector.load %arg5[%get3A_37] : memref<16xf32, #tpu.memory_space<vmem>>, vector<16xf32>
    %broadcast_in_dim3A_39 = vector.shape_cast %get3A_38 : vector<16xf32> to vector<1x16xf32>
    %mul3A_40 = vector.broadcast %broadcast_in_dim3A_39 : vector<1x16xf32> to vector<10240x16xf32>
    %mul3A_41 = arith.mulf %select_n3A, %mul3A_40 : vector<10240x16xf32>
    %reduce_sum3A_42 = arith.constant dense<0.000000e+00> : vector<10240xf32>
    %reduce_sum3A_43 = vector.multi_reduction <add>, %mul3A_41, %reduce_sum3A_42 [1] : vector<10240x16xf32> to vector<10240xf32>
    %slice3A_44 = vector.extract_strided_slice %reduce_sum3A_43 {offsets = [0], sizes = [10000], strides = [1]} : vector<10240xf32> to vector<10000xf32>
    %swap3A_45 = arith.constant 0 : index
    %swap3A_46 = vector.load %arg8[%swap3A_45] : memref<10000xf32, #tpu.memory_space<vmem>>, vector<10000xf32>
    tpu.vector_store %arg8[%swap3A_45], %slice3A_44 {strides = array<i32>} : memref<10000xf32, #tpu.memory_space<vmem>>, vector<10000xf32>,
    return
  }
}

</mosaic_0001>

<sc_bundles>
// kernel: kernel.11.cloned.1.call-start
scs
__scs_entry_jumppad:
0x0: {  	(pc) =	sbr.rel $0x88, $3  }
0x1: {  	(tag) =	ssettag $0x0;
	lr =	simm.s32 $0x1  }
0x2: {  	[smem:$0x3F93] =	sst lr;
	_ =	strace $0xD0000000  }
0x3: {  	_ = 	snop  }
0x4: {  	_ = 	snop  }
0x5: {  	_ = 	snop  }
0x6: {  	_ = 	snop  }
0x7: {  	_ = 	snop  }
__scs_overlays_trampoline_lowered:
0x8: {  	[smem:$0x3FA2] =	sst s0  }
0x9: {  	[smem:$0x3FA3] =	sst s1  }
0xa: {  	[smem:$0x3FA4] =	sst s2  }
0xb: {  	[smem:$0x3FA5] =	sst s3  }
0xc: {  	[smem:$0x3FA6] =	sst s4  }
0xd: {  	[smem:$0x3FA7] =	sst s5  }
0xe: {  	[smem:$0x3FA8] =	sst s6  }
0xf: {  	[smem:$0x3FA9] =	sst s7  }
0x10: {  	[smem:$0x3FAA] =	sst s8  }
0x11: {  	[smem:$0x3FAB] =	sst s9;
	s0 =	simm.s32 @!p0 $0x0  }
0x12: {  	s1 =	sld [smem:$0x3F91];
	s0 =	simm.s32 @p0 $0x1  }
0x13: {  	[smem:$0x3FAC] =	sst s0;
	s0 =	simm.s32 @!p1 $0x0  }
0x14: {  	s2 =	sld [smem:$0x3F90];
	s0 =	simm.s32 @p1 $0x1  }
0x15: {  	[smem:$0x3FAD] =	sst s0;
	s0 =	simm.s32 @!p2 $0x0  }
0x16: {  	s3 =	sld [smem:$0x3FDB];
	s0 =	simm.s32 @p2 $0x1  }
0x17: {  	s4 =	simm.s32 $0x1BF5;
	[smem:$0x3FAF] =	sst s0  }
0x18: {  	s0 =	sld [smem:$0x3F92];
	_ =	swait.ge [sflag:s4], $0x0  }
0x19: {  	s7 =	sld [smem:$0x3F93]  }
0x1a: {  	s8 =	sadd.s32 $0xFFFFE003, lr  }
0x1b: {  	s9 =	sadd.s32 $0xFFFFFEF7, lr;
	s5 =	simm.s32 $0xFFFFFFFF;
	p2 =	slt.u32 s8, $0xFFFFF086  }
0x1c: {  	p1 =	slt.u32 s9, $0xF7A;
	s5 =	simm.s32 @!p2 $0x0  }
0x1d: {  	s5 =	simm.s32 @p1 $0x1;
	p0 =	seq.s32 s7, s2  }
0x1e: {  	s7 =	smul.u32 @!p0 $0xF7A, s2;
	p2 =	seq.s32 @!p0 s5, $0x0  }
0x1f: {  	s9 =	smul.u32 $0xF7A, s1;
	s8 =	simm.s32 @!p0 $0x1BF5;
	p2 =	por !p2, p0  }
0x20: {  	[sflag:s8] =	ssyncset.s32 @!p0 $0xFFFFF086;
	s6 =	sadd.s32 @!p0 s3, s7;
	s7 =	simm.s32 @!p0 $0x108  }
0x21: {  	s3 =	sadd.s32 s3, s9;
	s6 =	sadd.s32 @!p0 $0x88, s6;
	s7 =	simm.s32 @p2 $0x1082  }
0x22: {  	[simem:s7], [sflag:s8] =	dma.local @!p0 [hbm:s6], $0xF7A  }
0x23: {  	s9 =	sor.u32 $0xD0000000, s2;
	s6 =	simm.s32 $0x108;
	_ =	swait.ge @!p0 [sflag:s8], $0x0  }
0x24: {  	s3 =	sadd.s32 $0x88, s3;
	s6 =	simm.s32 @!p1 $0x1082;
	[sflag:s4] =	ssyncset.s32 $0xFFFFF086  }
0x25: {  	[simem:s6], [sflag:s4] =	dma.local [hbm:s3], $0xF7A  }
0x26: {  	[smem:$0x3F93] =	sst s1;
	(tag) =	ssettag s2;
	_ =	strace s9  }
0x27: {  	s1 =	sld [smem:$0x3FA3]  }
0x28: {  	s2 =	sld [smem:$0x3FA4]  }
0x29: {  	s4 =	sld [smem:$0x3FA6]  }
0x2a: {  	p0 =	seq.s32 s5, $0x0;
	s5 =	sld [smem:$0x3FA7]  }
0x2b: {  	s6 =	sld [smem:$0x3FA8]  }
0x2c: {  	s7 =	sld [smem:$0x3FA9]  }
0x2d: {  	s3 =	simm.s32 $0x108;
	s8 =	sld [smem:$0x3FAA]  }
0x2e: {  	s3 =	simm.s32 @!p0 $0x1082;
	s9 =	sld [smem:$0x3FAB]  }
0x2f: {  	lr =	sadd.s32 s0, s3;
	s0 =	sld [smem:$0x3FA2]  }
0x30: {  	s3 =	sld [smem:$0x3FA5]  }
0x31: {  	[smem:$0x3FAE] =	sst s10  }
0x32: {  	s10 =	sld [smem:$0x3FAC];
	_ =	sdelay $0x3  }
0x33: {  	p0 =	seq.s32 s10, $0x1;
	s10 =	sld [smem:$0x3FAE];
	_ =	sdelay $0x3  }
0x34: {  	[smem:$0x3FAE] =	sst s10  }
0x35: {  	s10 =	sld [smem:$0x3FAD];
	_ =	sdelay $0x3  }
0x36: {  	p1 =	seq.s32 s10, $0x1;
	s10 =	sld [smem:$0x3FAE];
	_ =	sdelay $0x3  }
0x37: {  	[smem:$0x3FAE] =	sst s10  }
0x38: {  	s10 =	sld [smem:$0x3FAF]  }
0x39: {  	_ = 	snop;
	(pc) =	sbr.ind lr, $3  }
0x3a: {  	_ = 	snop  }
0x3b: {  	_ = 	snop  }
0x3c: {  	p2 =	seq.s32 s10, $0x1;
	s10 =	sld [smem:$0x3FAE]  }
0x3d: {  	_ =	shalt  }
0x3e: {  	_ =	shalt  }
0x3f: {  	_ =	shalt  }
0x40: {  	_ =	shalt  }
0x41: {  	_ =	shalt  }
0x42: {  	_ =	shalt  }
0x43: {  	_ =	shalt  }
0x44: {  	_ =	shalt  }
0x45: {  	_ =	shalt  }
0x46: {  	_ =	shalt  }
0x47: {  	_ =	shalt  }
0x48: {  	_ =	shalt  }
0x49: {  	_ =	shalt  }
0x4a: {  	_ =	shalt  }
0x4b: {  	_ =	shalt  }
0x4c: {  	_ =	shalt  }
0x4d: {  	_ =	shalt  }
0x4e: {  	_ =	shalt  }
0x4f: {  	_ =	shalt  }
0x50: {  	_ =	shalt  }
0x51: {  	_ =	shalt  }
0x52: {  	_ =	shalt  }
0x53: {  	_ =	shalt  }
0x54: {  	_ =	shalt  }
0x55: {  	_ =	shalt  }
0x56: {  	_ =	shalt  }
0x57: {  	_ =	shalt  }
0x58: {  	_ =	shalt  }
0x59: {  	_ =	shalt  }
0x5a: {  	_ =	shalt  }
0x5b: {  	_ =	shalt  }
0x5c: {  	_ =	shalt  }
0x5d: {  	_ =	shalt  }
0x5e: {  	_ =	shalt  }
0x5f: {  	_ =	shalt  }
0x60: {  	_ =	shalt  }
0x61: {  	_ =	shalt  }
0x62: {  	_ =	shalt  }
0x63: {  	_ =	shalt  }
0x64: {  	_ =	shalt  }
0x65: {  	_ =	shalt  }
0x66: {  	_ =	shalt  }
0x67: {  	_ =	shalt  }
0x68: {  	_ =	shalt  }
0x69: {  	_ =	shalt  }
0x6a: {  	_ =	shalt  }
0x6b: {  	_ =	shalt  }
0x6c: {  	_ =	shalt  }
0x6d: {  	_ =	shalt  }
0x6e: {  	_ =	shalt  }
0x6f: {  	_ =	shalt  }
0x70: {  	_ =	shalt  }
0x71: {  	_ =	shalt  }
0x72: {  	_ =	shalt  }
0x73: {  	_ =	shalt  }
0x74: {  	_ =	shalt  }
0x75: {  	_ =	shalt  }
0x76: {  	_ =	shalt  }
0x77: {  	_ =	shalt  }
0x78: {  	_ =	shalt  }
0x79: {  	_ =	shalt  }
0x7a: {  	_ =	shalt  }
0x7b: {  	_ =	shalt  }
0x7c: {  	_ =	shalt  }
0x7d: {  	_ =	shalt  }
0x7e: {  	_ =	shalt  }
0x7f: {  	_ =	shalt  }
0x80: {  	_ =	shalt  }
0x81: {  	_ =	shalt  }
0x82: {  	_ =	shalt  }
0x83: {  	_ =	shalt  }
0x84: {  	_ =	shalt  }
0x85: {  	_ =	shalt  }
0x86: {  	_ =	shalt  }
0x87: {  	_ =	shalt  }
.Lfunc_end0:
.L_simem_size_0:
called_computation_lowered:
.L_overlay_start_0:
0x88: {  	s2 =	sld [smem:$0x3FD9]  }
0x89: {  	s3 =	sld [smem:$0x3FFE];
	_ =	sdelay $0x1  }
0x8a: {  	s1 =	srdreg.scid  }
0x8b: {  	s0 =	sand.u32 $0x1, s1  }
0x8c: {  	s14 =	sshll.u32 s0, $0xA;
	s2 =	sadd.s32 s3, s2  }
0x8d: {  	s2 =	sadd.s32 s2, s14  }
0x8e: {  	[smem:$0x3FBA] =	sst s2  }
0x8f: {  	_ = 	snop  }
0x90: {  	s2 =	sld [smem:$0x3FD0];
	_ =	sdelay $0x2  }
0x91: {  	s15 =	simm.s32 $0xA;
	s4 =	simm.s32 $0x10  }
0x92: {  	[smem:s4], [sflag:s15] =	dma.local [hbm:s2], $0x1  }
0x93: {  	_ =	swait.eq [sflag:s15], $0x1  }
0x94: {  	[sflag:s15] =	ssyncset.done $0x0  }
0x95: {  	s16 =	sld [smem:$0x10];
	[sflag:s15] =	ssyncadd.s32 $0xFFFFFFFF  }
0x96: {  	s17 =	sld [smem:$0x11];
	(tm) =	ssettm $0x1  }
0x97: {  	s18 =	sld [smem:$0x3FFB];
	_ =	sdelay $0x3  }
0x98: {  	_ =	strace s18  }
0x99: {  	s4 =	sld [smem:$0x3FFC];
	_ =	sdelay $0x3  }
0x9a: {  	_ =	strace s4  }
0x9b: {  	s4 =	sld [smem:$0x3FFD];
	_ =	sdelay $0x3  }
0x9c: {  	_ =	strace s4  }
0x9d: {  	_ =	strace $0x8FFFFFFF  }
0x9e: {  	s19 =	sld [smem:$0x3FDB];
	_ =	sdelay $0x1  }
0x9f: {  	s5 =	simm.s32 $_scs_section_size  }
0xa0: {  	s6 =	simm.s32 $_size__tile_overlayer_lowered;
	s7 =	simm.s32 $_tile_overlayer_lowered  }
0xa1: {  	s22 =	simm.s32 $0x1BFF;
	s21 =	sshll.u32 s7, $0x1;
	s4 =	sadd.s32 s5, s19  }
0xa2: {  	s8 =	simm.s32 $0x0;
	s20 =	sshll.u32 s6, $0x1;
	s6 =	sadd.s32 s21, s4  }
0xa3: {  	[timem:s8], [sflag:s22] =	dma.local [hbm:s6], s20  }
0xa4: {  	_ =	swait.ge [sflag:s22], s20  }
0xa5: {  	s5 =	ssub.s32 $0x0, s20;
	[sflag:s22] =	ssyncset.done $0x0  }
0xa6: {  	[sflag:s22] =	ssyncadd.s32 s5;
	_ =	sdelay $0x1  }
0xa7: {  	s23 =	simm.s32 $0x1B8B  }
0xa8: {  	_ =	swait.ge [sflag:s23], $0x1  }
0xa9: {  	[sflag:s23] =	ssyncset.done $0x0  }
0xaa: {  	s25 =	simm.s32 $0x1B8E;
	s24 =	sld [smem:$0x3FFE];
	[sflag:s23] =	ssyncadd.s32 $0xFFFFFFFF  }
0xab: {  	s26 =	simm.s32 $execute0_lowered;
	[smem:$0x3FD2] =	sst s25  }
0xac: {  	s6 =	sshll.u32 s26, $0x1;
	_ =	strace $0x80000046;
	[dreg:$0x1] =	wrdreg $0xFFFFFFFF  }
0xad: {  	s28 =	simm.s32 $_size_execute0_lowered;
	s4 =	sadd.s32 s4, s6;
	[dreg:$0x0] =	wrdreg $0x0  }
0xae: {  	s6 =	sshll.u32 s28, $0x1;
	[dreg:$0x2] =	wrdreg s4  }
0xaf: {  	[dreg:$0x3] =	wrdreg s6  }
0xb0: {  	[dreg:$0x4] =	wrdreg $0xC0  }
0xb1: {  	_ =	task [dreg:s8], $0x5FFFF  }
0xb2: {  	[dreg:$0x1] =	wrdreg $0xFFFFFFFF  }
0xb3: {  	[dreg:$0x0] =	wrdreg $0x60  }
0xb4: {  	[dreg:$0x2] =	wrdreg s16  }
0xb5: {  	[dreg:$0x3] =	wrdreg s17  }
0xb6: {  	[dreg:$0x4] =	wrdreg s24  }
0xb7: {  	[dreg:$0x5] =	wrdreg $0x9  }
0xb8: {  	_ =	task.clear_ibuf [dreg:s8], $0x6FFFF;
	_ =	strace $0x90000046  }
0xb9: {  	s29 =	simm.s32 $0x9;
	_ =	strace $0x80000048  }
0xba: {  	_ =	swait.ge [sflag:s29], $0x1  }
0xbb: {  	[sflag:s29] =	ssyncadd.s32 $0xFFFFFFFF  }
0xbc: {  	_ =	strace $0x90000048  }
0xbd: {  	_ =	sfence  }
0xbe: {  	s30 =	sld [smem:$0x0];
	_ =	sdelay $0x2  }
0xbf: {  	s31 =	sshll.u32 s1, $0xD;
	s1 =	sshrl.u32 s1, $0x2  }
0xc0: {  	s3 =	sand.u32 $0x4000, s31;
	s1 =	sadd.s32 s1, s30  }
0xc1: {  	s0 =	sor.u32 s3, s0;
	s1 =	sshll.u32 s1, $0x11  }
0xc2: {  	s0 =	sor.u32 s1, s0  }
0xc3: {  	s0 =	sadd.s32 $0x8F2B, s0  }
0xc4: {  	[sflag:s0] =	ssyncadd.remote.s32 $0x1  }
0xc5: {  	_ =	sfence.sel $0xFFFF  }
0xc6: {  	[dreg:$0x0] =	wrdreg $0xFFFFFFFF;
	(pc) =	sbr.abs _section_cstart, $3  }
0xc7: {  	[dreg:$0x1] =	wrdreg $0xFFFFFFFF  }
0xc8: {  	_ =	task.clear_ibuf [dreg:s8], $0x2FFFF;
	_ =	strace $0x9FFFFFFF  }
0xc9: {  	(tm) =	ssettm $0x7FFFFFFF  }
tec
execute0_lowered:
.L_overlay_start_1:
0x0: {  	(tag) =	ssettag $0x1  }
0x1: {  	s4 =	rddreg [dreg:$0x0]  }
0x2: {  	s1 =	rddreg [dreg:$0x1];
	s2 =	srdreg.scid;
	v0 =	vimm.s32 $0x65432100;
	v1 =	vimm.s32 $0xEDCBA987  }
0x3: {  	s0 =	stileid.u32;
	s5 =	rddreg [dreg:$0x2];
	v2 =	vimm.s32 $0xFFEDCBA9;
	v3 =	vimm.s32 $0x87654321;
	v1 =	vunpack.c.l.s4.s8 v1  }
0x4: {  	s9 =	simm.s32 $0x0;
	s6 =	sand.u32 $0x1, s2;
	s3 =	sshll.u32 s0, $0x1;
	v0 =	vunpack.c.l.s4.s8 v0;
	v2 =	vunpack.c.l.s4.s8 v2;
	v3 =	vunpack.c.l.s4.s8 v3  }
0x5: {  	s7 =	sor.u32 s6, s3;
	s3 =	simm.s32 $0x0;
	s6 =	ssub.s32 $0x2, s6;
	v1 =	vunpack.c.0.s8.s32 v1  }
0x6: {  	s7 =	smul.u32 $0x4E2, s7;
	[smem:$0x7FF] =	sst s3;
	s8 =	sshrl.u32 s6, $0x1;
	v0 =	vunpack.c.0.s8.s32 v0;
	v2 =	vunpack.c.0.s8.s32 v2;
	v3 =	vunpack.c.0.s8.s32 v3  }
0x7: {  	s2 =	rddreg [dreg:$0x3];
	_ =	strace $0x80000047;
	s6 =	ssub.s32 s6, s8;
	v1 =	vand.u32 $0xF, v1  }
0x8: {  	s8 =	simm.s32 $0x2710;
	s5 =	sadd.s32 s7, s5;
	s4 =	sadd.s32 s4, s7;
	v0 =	vcombine.low v0, v1;
	v1 =	vcombine.low v3, v2;
	v3 =	vlaneseq.u32  }
0x9: {  	vm0 =	vcmask $0x3F3C;
	s6 =	smax.u32 s6, $0x1;
	s7 =	simm.s32 $0x1;
	s5 =	sadd.s32 $0x2A00, s5;
	v2 =	vor.u32 $0x80000000, v3;
	v3 =	vadd.s32 $0x1, v3  }
.LBB2_1:
0xa: {  	[tilespmem:s3], [sflag:$0x1] =	stream.linear.gather [hbm4b:s1+s3], $0x2710, $0x38;
	[tilespmem:$0x4E20] =	vst v63  }
0xb: {  	_ =	swait.ge [sflag:s7], $0x2710  }
0xc: {  	[sflag:s7] =	ssyncset.done $0x0  }
0xd: {  	[sflag:s7] =	ssyncadd.s32 $0xFFFFD8F0  }
0xe: {  	[tilespmem:s8], [sflag:$0x1] =	stream.linear.gather [hbm4b:s4+s3], $0x2710, $0x38;
	[tilespmem:$0x4E20] =	vst v63  }
0xf: {  	_ =	swait.ge [sflag:s7], $0x2710  }
0x10: {  	[sflag:s7] =	ssyncset.done $0x0  }
0x11: {  	s11 =	simm.s32 $0x0;
	s10 =	simm.s32 $0x40;
	[sflag:s7] =	ssyncadd.s32 $0xFFFFD8F0  }
.LBB2_2:
0x12: {  	p0 =	sne.s32 s10, $0x9C00;
	v4 =	vld [tilespmem:s11+$0x2710];
	_ =	sdelay $0x4  }
0x13: {  	(xrf1) =	vsort.ascd.msk.u32 $0xffff, v4, v4;
	_ =	sdelay $0xd  }
0x14: {  	v4, _, _ =	vpop (xrf1)  }
0x15: {  	v5 =	vperm.xlane v4, v0;
	_ =	sdelay $0x1  }
0x16: {  	vm1 =	veq.s32 v4, v5  }
0x17: {  	v5 =	vsel vm1, $0x80000000, v2  }
0x18: {  	(xrf0) =	vmax.scan.msk.u32 $0xffff, v5;
	_ =	sdelay $0x1  }
0x19: {  	v5 =	vperm.xlane v4, v1;
	_ =	sdelay $0x1  }
0x1a: {  	vm1 =	vne.s32 v4, v5  }
0x1b: {  	vm1 =	vmor vm1, vm0  }
0x1c: {  	v5, _, _ =	vpop (xrf0)  }
.Ltmp0:
0x1d: {  	v5 =	vxor.u32 $0x80000000, v5;
	(pc) =	sbr.rel @p0 .LBB2_2-.Ltmp0, $3  }
0x1e: {  	v5 =	vsub.s32 v3, v5  }
0x1f: {  	v5 =	vcvt.s32.f32 v5;
	_ =	sdelay $0x1  }
0x20: {  	s11 =	sshra.s32 s10, $0x2;
	s10 =	sadd.s32 $0x40, s10;
	[tilespmem:v4+s3+$0x0] =	vst.idx.add.f32.msk vm1, v5  }
0x21: {  	v4 =	vld [tilespmem:s11+$0x2710];
	_ =	sdelay $0x4  }
0x22: {  	(xrf1) =	vsort.ascd.msk.u32 $0xffff, v4, v4;
	_ =	sdelay $0xd  }
0x23: {  	v4, _, _ =	vpop (xrf1)  }
0x24: {  	v5 =	vperm.xlane v4, v0;
	_ =	sdelay $0x1  }
0x25: {  	vm1 =	veq.s32 v4, v5  }
0x26: {  	v5 =	vsel vm1, $0x80000000, v2  }
0x27: {  	(xrf0) =	vmax.scan.msk.u32 $0xffff, v5;
	_ =	sdelay $0x1  }
0x28: {  	v5 =	vperm.xlane v4, v1;
	_ =	sdelay $0x1  }
0x29: {  	vm1 =	vne.s32 v4, v5  }
0x2a: {  	vm1 =	vmor vm1, vm0  }
0x2b: {  	v5, _, _ =	vpop (xrf0)  }
0x2c: {  	v5 =	vxor.u32 $0x80000000, v5  }
0x2d: {  	v5 =	vsub.s32 v3, v5  }
0x2e: {  	s9 =	sadd.s32 $0x1, s9;
	v5 =	vcvt.s32.f32 v5  }
0x2f: {  	p0 =	sne.s32 s9, s6  }
.Ltmp1:
0x30: {  	[tilespmem:v4+s3+$0x0] =	vst.idx.add.f32.msk vm1, v5;
	(pc) =	sbr.rel @p0 .LBB2_1-.Ltmp1, $4  }
0x31: {  	[hbm4b:s5+s3] =	stream.linear.scatter [tilespmem:s3], [sflag:$0x1], $0x2710, $0x38;
	[tilespmem:$0x4E20] =	vst v63  }
0x32: {  	_ =	swait.ge [sflag:s7], $0x2710  }
0x33: {  	[sflag:s7] =	ssyncset.done $0x0  }
0x34: {  	[sflag:s7] =	ssyncadd.s32 $0xFFFFD8F0  }
0x35: {  	_ =	sfence.sel $0x180000  }
0x36: {  	[bflag:$0x0] =	sbarrier.arrive $0xFFFF  }
0x37: {  	p0 =	sne.s32 s0, $0x0;
	_ =	strace $0x90000047  }
0x38: {  	s0 =	sadd.s32 @!p0 $0x100000, s2;
	[bflag:$0x2] =	sbarrier.arrive $0xFFFF  }
0x39: {  	[sflag:s0] =	ssyncadd.tile.s32 @!p0 $0x1;
	_ =	shalt  }
.Lfunc_end2:
_tile_overlayer_lowered:
.L_overlay_start_2:
0x3a: {  	(tag) =	ssettag $0x2  }
0x3b: {  	s0 =	rddreg [dreg:$0x0];
	s2 =	stileid.u32  }
0x3c: {  	s1 =	rddreg [dreg:$0x1];
	p0 =	sne.s32 s2, $0x0  }
0x3d: {  	s3 =	rddreg [dreg:$0x2];
	[bflag:$0x3] =	sbarrier.arrive $0xFFFF;
	s2 =	simm.s32 @!p0 $0x1C01  }
0x3e: {  	[timem:s3], [sflag:s2] =	dma.local @!p0 [hbm:s0], s1  }
0x3f: {  	s0 =	simm.s32 @!p0 $0x1  }
0x40: {  	_ =	swait.ge @!p0 [sflag:s0], s1  }
0x41: {  	s1 =	ssub.s32 @!p0 $0x0, s1;
	[sflag:s0] =	ssyncset.done @!p0 $0x0  }
0x42: {  	[sflag:s0] =	ssyncadd.s32 @!p0 s1  }
0x43: {  	[bflag:$0x3] =	sbarrier.arrive $0xFFFF  }
0x44: {  	_ =	shalt  }

// kernel: kernel.14.cloned.1.call-start
scs
__scs_entry_jumppad:
0x0: {  	(pc) =	sbr.rel $0x88, $3  }
0x1: {  	(tag) =	ssettag $0x0;
	lr =	simm.s32 $0x1  }
0x2: {  	[smem:$0x3F93] =	sst lr;
	_ =	strace $0xD0000000  }
0x3: {  	_ = 	snop  }
0x4: {  	_ = 	snop  }
0x5: {  	_ = 	snop  }
0x6: {  	_ = 	snop  }
0x7: {  	_ = 	snop  }
__scs_overlays_trampoline_lowered:
0x8: {  	[smem:$0x3FA2] =	sst s0  }
0x9: {  	[smem:$0x3FA3] =	sst s1  }
0xa: {  	[smem:$0x3FA4] =	sst s2  }
0xb: {  	[smem:$0x3FA5] =	sst s3  }
0xc: {  	[smem:$0x3FA6] =	sst s4  }
0xd: {  	[smem:$0x3FA7] =	sst s5  }
0xe: {  	[smem:$0x3FA8] =	sst s6  }
0xf: {  	[smem:$0x3FA9] =	sst s7  }
0x10: {  	[smem:$0x3FAA] =	sst s8  }
0x11: {  	[smem:$0x3FAB] =	sst s9;
	s0 =	simm.s32 @!p0 $0x0  }
0x12: {  	s1 =	sld [smem:$0x3F91];
	s0 =	simm.s32 @p0 $0x1  }
0x13: {  	[smem:$0x3FAC] =	sst s0;
	s0 =	simm.s32 @!p1 $0x0  }
0x14: {  	s2 =	sld [smem:$0x3F90];
	s0 =	simm.s32 @p1 $0x1  }
0x15: {  	[smem:$0x3FAD] =	sst s0;
	s0 =	simm.s32 @!p2 $0x0  }
0x16: {  	s3 =	sld [smem:$0x3FDB];
	s0 =	simm.s32 @p2 $0x1  }
0x17: {  	s4 =	simm.s32 $0x1BF5;
	[smem:$0x3FAF] =	sst s0  }
0x18: {  	s0 =	sld [smem:$0x3F92];
	_ =	swait.ge [sflag:s4], $0x0  }
0x19: {  	s7 =	sld [smem:$0x3F93]  }
0x1a: {  	s8 =	sadd.s32 $0xFFFFE003, lr  }
0x1b: {  	s9 =	sadd.s32 $0xFFFFFEF7, lr;
	s5 =	simm.s32 $0xFFFFFFFF;
	p2 =	slt.u32 s8, $0xFFFFF086  }
0x1c: {  	p1 =	slt.u32 s9, $0xF7A;
	s5 =	simm.s32 @!p2 $0x0  }
0x1d: {  	s5 =	simm.s32 @p1 $0x1;
	p0 =	seq.s32 s7, s2  }
0x1e: {  	s7 =	smul.u32 @!p0 $0xF7A, s2;
	p2 =	seq.s32 @!p0 s5, $0x0  }
0x1f: {  	s9 =	smul.u32 $0xF7A, s1;
	s8 =	simm.s32 @!p0 $0x1BF5;
	p2 =	por !p2, p0  }
0x20: {  	[sflag:s8] =	ssyncset.s32 @!p0 $0xFFFFF086;
	s6 =	sadd.s32 @!p0 s3, s7;
	s7 =	simm.s32 @!p0 $0x108  }
0x21: {  	s3 =	sadd.s32 s3, s9;
	s6 =	sadd.s32 @!p0 $0x88, s6;
	s7 =	simm.s32 @p2 $0x1082  }
0x22: {  	[simem:s7], [sflag:s8] =	dma.local @!p0 [hbm:s6], $0xF7A  }
0x23: {  	s9 =	sor.u32 $0xD0000000, s2;
	s6 =	simm.s32 $0x108;
	_ =	swait.ge @!p0 [sflag:s8], $0x0  }
0x24: {  	s3 =	sadd.s32 $0x88, s3;
	s6 =	simm.s32 @!p1 $0x1082;
	[sflag:s4] =	ssyncset.s32 $0xFFFFF086  }
0x25: {  	[simem:s6], [sflag:s4] =	dma.local [hbm:s3], $0xF7A  }
0x26: {  	[smem:$0x3F93] =	sst s1;
	(tag) =	ssettag s2;
	_ =	strace s9  }
0x27: {  	s1 =	sld [smem:$0x3FA3]  }
0x28: {  	s2 =	sld [smem:$0x3FA4]  }
0x29: {  	s4 =	sld [smem:$0x3FA6]  }
0x2a: {  	p0 =	seq.s32 s5, $0x0;
	s5 =	sld [smem:$0x3FA7]  }
0x2b: {  	s6 =	sld [smem:$0x3FA8]  }
0x2c: {  	s7 =	sld [smem:$0x3FA9]  }
0x2d: {  	s3 =	simm.s32 $0x108;
	s8 =	sld [smem:$0x3FAA]  }
0x2e: {  	s3 =	simm.s32 @!p0 $0x1082;
	s9 =	sld [smem:$0x3FAB]  }
0x2f: {  	lr =	sadd.s32 s0, s3;
	s0 =	sld [smem:$0x3FA2]  }
0x30: {  	s3 =	sld [smem:$0x3FA5]  }
0x31: {  	[smem:$0x3FAE] =	sst s10  }
0x32: {  	s10 =	sld [smem:$0x3FAC];
	_ =	sdelay $0x3  }
0x33: {  	p0 =	seq.s32 s10, $0x1;
	s10 =	sld [smem:$0x3FAE];
	_ =	sdelay $0x3  }
0x34: {  	[smem:$0x3FAE] =	sst s10  }
0x35: {  	s10 =	sld [smem:$0x3FAD];
	_ =	sdelay $0x3  }
0x36: {  	p1 =	seq.s32 s10, $0x1;
	s10 =	sld [smem:$0x3FAE];
	_ =	sdelay $0x3  }
0x37: {  	[smem:$0x3FAE] =	sst s10  }
0x38: {  	s10 =	sld [smem:$0x3FAF]  }
0x39: {  	_ = 	snop;
	(pc) =	sbr.ind lr, $3  }
0x3a: {  	_ = 	snop  }
0x3b: {  	_ = 	snop  }
0x3c: {  	p2 =	seq.s32 s10, $0x1;
	s10 =	sld [smem:$0x3FAE]  }
0x3d: {  	_ =	shalt  }
0x3e: {  	_ =	shalt  }
0x3f: {  	_ =	shalt  }
0x40: {  	_ =	shalt  }
0x41: {  	_ =	shalt  }
0x42: {  	_ =	shalt  }
0x43: {  	_ =	shalt  }
0x44: {  	_ =	shalt  }
0x45: {  	_ =	shalt  }
0x46: {  	_ =	shalt  }
0x47: {  	_ =	shalt  }
0x48: {  	_ =	shalt  }
0x49: {  	_ =	shalt  }
0x4a: {  	_ =	shalt  }
0x4b: {  	_ =	shalt  }
0x4c: {  	_ =	shalt  }
0x4d: {  	_ =	shalt  }
0x4e: {  	_ =	shalt  }
0x4f: {  	_ =	shalt  }
0x50: {  	_ =	shalt  }
0x51: {  	_ =	shalt  }
0x52: {  	_ =	shalt  }
0x53: {  	_ =	shalt  }
0x54: {  	_ =	shalt  }
0x55: {  	_ =	shalt  }
0x56: {  	_ =	shalt  }
0x57: {  	_ =	shalt  }
0x58: {  	_ =	shalt  }
0x59: {  	_ =	shalt  }
0x5a: {  	_ =	shalt  }
0x5b: {  	_ =	shalt  }
0x5c: {  	_ =	shalt  }
0x5d: {  	_ =	shalt  }
0x5e: {  	_ =	shalt  }
0x5f: {  	_ =	shalt  }
0x60: {  	_ =	shalt  }
0x61: {  	_ =	shalt  }
0x62: {  	_ =	shalt  }
0x63: {  	_ =	shalt  }
0x64: {  	_ =	shalt  }
0x65: {  	_ =	shalt  }
0x66: {  	_ =	shalt  }
0x67: {  	_ =	shalt  }
0x68: {  	_ =	shalt  }
0x69: {  	_ =	shalt  }
0x6a: {  	_ =	shalt  }
0x6b: {  	_ =	shalt  }
0x6c: {  	_ =	shalt  }
0x6d: {  	_ =	shalt  }
0x6e: {  	_ =	shalt  }
0x6f: {  	_ =	shalt  }
0x70: {  	_ =	shalt  }
0x71: {  	_ =	shalt  }
0x72: {  	_ =	shalt  }
0x73: {  	_ =	shalt  }
0x74: {  	_ =	shalt  }
0x75: {  	_ =	shalt  }
0x76: {  	_ =	shalt  }
0x77: {  	_ =	shalt  }
0x78: {  	_ =	shalt  }
0x79: {  	_ =	shalt  }
0x7a: {  	_ =	shalt  }
0x7b: {  	_ =	shalt  }
0x7c: {  	_ =	shalt  }
0x7d: {  	_ =	shalt  }
0x7e: {  	_ =	shalt  }
0x7f: {  	_ =	shalt  }
0x80: {  	_ =	shalt  }
0x81: {  	_ =	shalt  }
0x82: {  	_ =	shalt  }
0x83: {  	_ =	shalt  }
0x84: {  	_ =	shalt  }
0x85: {  	_ =	shalt  }
0x86: {  	_ =	shalt  }
0x87: {  	_ =	shalt  }
.Lfunc_end0:
.L_simem_size_0:
called_computation.1_lowered:
.L_overlay_start_0:
0x88: {  	s2 =	sld [smem:$0x3FD9]  }
0x89: {  	s3 =	sld [smem:$0x3FFE];
	_ =	sdelay $0x1  }
0x8a: {  	s1 =	srdreg.scid  }
0x8b: {  	s0 =	sand.u32 $0x1, s1  }
0x8c: {  	s14 =	sshll.u32 s0, $0xA;
	s2 =	sadd.s32 s3, s2  }
0x8d: {  	s2 =	sadd.s32 s2, s14  }
0x8e: {  	[smem:$0x3FBA] =	sst s2  }
0x8f: {  	_ = 	snop  }
0x90: {  	s2 =	sld [smem:$0x3FD0];
	_ =	sdelay $0x2  }
0x91: {  	s15 =	simm.s32 $0xA;
	s4 =	simm.s32 $0x10  }
0x92: {  	[smem:s4], [sflag:s15] =	dma.local [hbm:s2], $0x1  }
0x93: {  	_ =	swait.eq [sflag:s15], $0x1  }
0x94: {  	[sflag:s15] =	ssyncset.done $0x0  }
0x95: {  	[sflag:s15] =	ssyncadd.s32 $0xFFFFFFFF  }
0x96: {  	s16 =	sld [smem:$0x10];
	(tm) =	ssettm $0x1  }
0x97: {  	s17 =	sld [smem:$0x3FFB];
	_ =	sdelay $0x3  }
0x98: {  	_ =	strace s17  }
0x99: {  	s3 =	sld [smem:$0x3FFC];
	_ =	sdelay $0x3  }
0x9a: {  	_ =	strace s3  }
0x9b: {  	s3 =	sld [smem:$0x3FFD];
	_ =	sdelay $0x3  }
0x9c: {  	_ =	strace s3  }
0x9d: {  	_ =	strace $0x8FFFFFFF  }
0x9e: {  	s18 =	sld [smem:$0x3FDB];
	_ =	sdelay $0x1  }
0x9f: {  	s19 =	simm.s32 $_scs_section_size  }
0xa0: {  	s5 =	simm.s32 $_size__tile_overlayer_lowered;
	s6 =	simm.s32 $_tile_overlayer_lowered  }
0xa1: {  	s22 =	simm.s32 $0x1BFF;
	s21 =	sshll.u32 s6, $0x1;
	s3 =	sadd.s32 s19, s18  }
0xa2: {  	s7 =	simm.s32 $0x0;
	s20 =	sshll.u32 s5, $0x1;
	s5 =	sadd.s32 s21, s3  }
0xa3: {  	[timem:s7], [sflag:s22] =	dma.local [hbm:s5], s20  }
0xa4: {  	_ =	swait.ge [sflag:s22], s20  }
0xa5: {  	s4 =	ssub.s32 $0x0, s20;
	[sflag:s22] =	ssyncset.done $0x0  }
0xa6: {  	[sflag:s22] =	ssyncadd.s32 s4;
	_ =	sdelay $0x1  }
0xa7: {  	s23 =	simm.s32 $0x1B8B  }
0xa8: {  	_ =	swait.ge [sflag:s23], $0x1  }
0xa9: {  	[sflag:s23] =	ssyncset.done $0x0  }
0xaa: {  	s25 =	simm.s32 $0x1B8E;
	s24 =	sld [smem:$0x3FFE];
	[sflag:s23] =	ssyncadd.s32 $0xFFFFFFFF  }
0xab: {  	s26 =	simm.s32 $execute0_lowered;
	[smem:$0x3FD2] =	sst s25  }
0xac: {  	s5 =	sshll.u32 s26, $0x1;
	_ =	strace $0x80000049;
	[dreg:$0x1] =	wrdreg $0xFFFFFFFF  }
0xad: {  	s28 =	simm.s32 $_size_execute0_lowered;
	s3 =	sadd.s32 s3, s5;
	[dreg:$0x0] =	wrdreg $0x0  }
0xae: {  	s5 =	sshll.u32 s28, $0x1;
	[dreg:$0x2] =	wrdreg s3  }
0xaf: {  	[dreg:$0x3] =	wrdreg s5  }
0xb0: {  	[dreg:$0x4] =	wrdreg $0xC0  }
0xb1: {  	_ =	task [dreg:s7], $0x5FFFF  }
0xb2: {  	[dreg:$0x1] =	wrdreg $0xFFFFFFFF  }
0xb3: {  	[dreg:$0x0] =	wrdreg $0x60  }
0xb4: {  	[dreg:$0x2] =	wrdreg s16  }
0xb5: {  	[dreg:$0x3] =	wrdreg s24  }
0xb6: {  	[dreg:$0x4] =	wrdreg $0x0  }
0xb7: {  	[dreg:$0x5] =	wrdreg $0x9  }
0xb8: {  	_ =	task.clear_ibuf [dreg:s7], $0x6FFFF;
	_ =	strace $0x90000049  }
0xb9: {  	s29 =	simm.s32 $0x9;
	_ =	strace $0x8000004B  }
0xba: {  	_ =	swait.ge [sflag:s29], $0x1  }
0xbb: {  	[sflag:s29] =	ssyncadd.s32 $0xFFFFFFFF  }
0xbc: {  	_ =	strace $0x9000004B  }
0xbd: {  	_ =	sfence  }
0xbe: {  	s30 =	sld [smem:$0x0];
	_ =	sdelay $0x2  }
0xbf: {  	s31 =	sshll.u32 s1, $0xD;
	s1 =	sshrl.u32 s1, $0x2  }
0xc0: {  	s3 =	sand.u32 $0x4000, s31;
	s1 =	sadd.s32 s1, s30  }
0xc1: {  	s0 =	sor.u32 s3, s0;
	s1 =	sshll.u32 s1, $0x11  }
0xc2: {  	s0 =	sor.u32 s1, s0  }
0xc3: {  	s0 =	sadd.s32 $0x8F2B, s0  }
0xc4: {  	[sflag:s0] =	ssyncadd.remote.s32 $0x1  }
0xc5: {  	_ =	sfence.sel $0xFFFF  }
0xc6: {  	[dreg:$0x0] =	wrdreg $0xFFFFFFFF;
	(pc) =	sbr.abs _section_cstart, $3  }
0xc7: {  	[dreg:$0x1] =	wrdreg $0xFFFFFFFF  }
0xc8: {  	_ =	task.clear_ibuf [dreg:s7], $0x2FFFF;
	_ =	strace $0x9FFFFFFF  }
0xc9: {  	(tm) =	ssettm $0x7FFFFFFF  }
tec
execute0_lowered:
.L_overlay_start_1:
0x0: {  	(tag) =	ssettag $0x1  }
0x1: {  	s1 =	rddreg [dreg:$0x0]  }
0x2: {  	s5 =	rddreg [dreg:$0x1]  }
0x3: {  	s3 =	rddreg [dreg:$0x2]  }
0x4: {  	s0 =	rddreg [dreg:$0x3];
	s6 =	srdreg.scid  }
0x5: {  	s2 =	stileid.u32;
	s4 =	simm.s32 $0x0;
	s14 =	simm.s32 $0x7D  }
0x6: {  	s15 =	simm.s32 $0x7800;
	s16 =	simm.s32 $0x7FD0;
	s17 =	simm.s32 $0x1  }
0x7: {  	s18 =	simm.s32 $0x2;
	s19 =	simm.s32 $0x4F80;
	s20 =	simm.s32 $0x7700  }
0x8: {  	s21 =	simm.s32 $0x7780;
	s6 =	sand.u32 $0x1, s6;
	s7 =	sshll.u32 s2, $0x1  }
0x9: {  	[smem:$0x7FF] =	sst s4;
	s8 =	smul.u32 $0x2800, s2;
	s12 =	sshll.u32 s2, $0x6  }
0xa: {  	s7 =	sor.u32 s6, s7;
	_ =	strace $0x8000004A;
	s9 =	smul.u32 $0x5000, s6  }
0xb: {  	s6 =	ssub.s32 $0x2, s6;
	s12 =	sor.u32 $0x1C03, s12;
	s7 =	smul.u32 $0x500, s7  }
0xc: {  	s22 =	sshrl.u32 s8, $0x3;
	s11 =	sshrl.u32 s6, $0x1;
	s13 =	sadd.s32 s8, s3  }
0xd: {  	s10 =	sadd.s32 s22, s5;
	s9 =	sadd.s32 s9, s5;
	s11 =	ssub.s32 s6, s11  }
0xe: {  	s13 =	sshrl.u32 s13, $0x3;
	s7 =	sadd.s32 s7, s5;
	s23 =	sadd.s32 $0x20800, s9  }
0xf: {  	s8 =	smax.u32 s11, $0x1;
	s9 =	simm.s32 $0x2800;
	s11 =	simm.s32 $0x5000  }
0x10: {  	s5 =	sadd.s32 $0x16800, s7;
	s6 =	sadd.s32 $0xC800, s7;
	s7 =	sadd.s32 $0x2A00, s10  }
0x11: {  	s10 =	simm.s32 $0x3;
	s22 =	sadd.s32 s22, s23;
	s23 =	simm.s32 $0x0  }
.LBB2_1:
0x12: {  	[tilespmem:s9], [sflag:$0x3] =	stream.linear.gather [hbm4b:s5+s4], $0x2800, $0x38;
	[tilespmem:$0x87A0] =	vst v63  }
0x13: {  	_ =	swait.ge [sflag:s10], $0x2800  }
0x14: {  	[sflag:s10] =	ssyncset.done $0x0  }
0x15: {  	[sflag:s10] =	ssyncadd.s32 $0xFFFFD800  }
0x16: {  	[tilespmem:s11], [sflag:$0x3] =	stream.linear.gather [hbm4b:s6+s4], $0x2800, $0x38;
	[tilespmem:$0x87A0] =	vst v63  }
0x17: {  	_ =	swait.ge [sflag:s10], $0x2800  }
0x18: {  	[sflag:s10] =	ssyncset.done $0x0  }
0x19: {  	[sflag:s10] =	ssyncadd.s32 $0xFFFFD800  }
0x1a: {  	[spmem:s13], [sflag:s12] =	dma.local [hbm:s7], $0x500  }
0x1b: {  	_ =	swait.ge [sflag:s10], $0x500  }
0x1c: {  	[sflag:s10] =	ssyncset.done $0x0  }
0x1d: {  	[sflag:s10] =	ssyncadd.s32 $0xFFFFFB00  }
0x1e: {  	[tilespmem:s15], [sflag:$0x1] =	stream.indirect.gather [hbm4b:s1+s14], $0x10, s9, s14, $0xb8;
	[tilespmem:$0x87A0] =	vst v63  }
0x1f: {  	s24 =	simm.s32 $0x2880;
	[bflag:$0x0] =	sbarrier.arrive $0xFFFF  }
0x20: {  	[tilespmem:s16], [sflag:$0x2] =	stream.indirect.gather [hbm4b:s1+s14], $0x10, s24, s14, $0xb8;
	[tilespmem:$0x87A0] =	vst v63  }
0x21: {  	_ =	swait.ge [sflag:s17], $0x7D0  }
0x22: {  	[sflag:s17] =	ssyncset.done $0x0  }
0x23: {  	s29 =	simm.s32 $0x5000;
	[sflag:s17] =	ssyncadd.s32 $0xFFFFF830  }
0x24: {  	[spmem:s3] =	stream.indirect.scatter.add.f32 [tilespmem:s15], [sflag:$0x3], $0x10, s29, s14, $0xb8;
	[tilespmem:$0x87A0] =	vst v63  }
0x25: {  	_ =	swait.ge [sflag:s10], $0x7D0  }
0x26: {  	[sflag:s10] =	ssyncset.done $0x0  }
0x27: {  	s30 =	simm.s32 $0x2900;
	[sflag:s10] =	ssyncadd.s32 $0xFFFFF830  }
0x28: {  	[tilespmem:s15], [sflag:$0x1] =	stream.indirect.gather [hbm4b:s1+s14], $0x10, s30, s14, $0xb8;
	[tilespmem:$0x87A0] =	vst v63  }
0x29: {  	_ =	swait.ge [sflag:s18], $0x7D0  }
0x2a: {  	[sflag:s18] =	ssyncset.done $0x0  }
0x2b: {  	s31 =	simm.s32 $0x5080;
	[sflag:s18] =	ssyncadd.s32 $0xFFFFF830  }
0x2c: {  	[spmem:s3] =	stream.indirect.scatter.add.f32 [tilespmem:s16], [sflag:$0x3], $0x10, s31, s14, $0xb8;
	[tilespmem:$0x87A0] =	vst v63  }
0x2d: {  	_ =	swait.ge [sflag:s10], $0x7D0  }
0x2e: {  	s25 =	simm.s32 $0x800;
	s24 =	simm.s32 $0x100;
	[sflag:s10] =	ssyncset.done $0x0  }
.LBB2_2:
0x2f: {  	s26 =	sadd.s32 $0x2880, s24  }
0x30: {  	[sflag:s10] =	ssyncadd.s32 $0xFFFFF830;
	s28 =	smov.u32 s25;
	s29 =	sadd.s32 $0x400, s25  }
0x31: {  	[tilespmem:s16], [sflag:$0x2] =	stream.indirect.gather [hbm4b:s1+s14], $0x10, s26, s14, $0xb8;
	[tilespmem:$0x87A0] =	vst v63  }
0x32: {  	p0 =	sne.s32 s25, $0x9800;
	_ =	swait.ge [sflag:s17], $0x7D0  }
0x33: {  	[sflag:s17] =	ssyncset.done $0x0  }
0x34: {  	s25 =	sadd.s32 $0x5000, s24;
	[sflag:s17] =	ssyncadd.s32 $0xFFFFF830  }
0x35: {  	[spmem:s3] =	stream.indirect.scatter.add.f32 [tilespmem:s15], [sflag:$0x3], $0x10, s25, s14, $0xb8;
	[tilespmem:$0x87A0] =	vst v63  }
0x36: {  	_ =	swait.ge [sflag:s10], $0x7D0  }
0x37: {  	[sflag:s10] =	ssyncset.done $0x0  }
0x38: {  	s25 =	sadd.s32 $0x2900, s24;
	[sflag:s10] =	ssyncadd.s32 $0xFFFFF830  }
0x39: {  	[tilespmem:s15], [sflag:$0x1] =	stream.indirect.gather [hbm4b:s1+s14], $0x10, s25, s14, $0xb8;
	[tilespmem:$0x87A0] =	vst v63  }
0x3a: {  	_ =	swait.ge [sflag:s18], $0x7D0  }
.Ltmp0:
0x3b: {  	[sflag:s18] =	ssyncset.done $0x0;
	(pc) =	sbr.rel @p0 .LBB2_2-.Ltmp0, $4  }
0x3c: {  	s24 =	sadd.s32 $0x5080, s24;
	[sflag:s18] =	ssyncadd.s32 $0xFFFFF830  }
0x3d: {  	[spmem:s3] =	stream.indirect.scatter.add.f32 [tilespmem:s16], [sflag:$0x3], $0x10, s24, s14, $0xb8;
	[tilespmem:$0x87A0] =	vst v63  }
0x3e: {  	_ =	swait.ge [sflag:s10], $0x7D0  }
0x3f: {  	s25 =	smov.u32 s29;
	s24 =	sshra.s32 s28, $0x2;
	[sflag:s10] =	ssyncset.done $0x0  }
0x40: {  	s25 =	sadd.s32 $0x2880, s24;
	[sflag:s10] =	ssyncadd.s32 $0xFFFFF830  }
0x41: {  	[tilespmem:s16], [sflag:$0x2] =	stream.indirect.gather [hbm4b:s1+s14], $0x10, s25, s14, $0xb8;
	[tilespmem:$0x87A0] =	vst v63  }
0x42: {  	_ =	swait.ge [sflag:s17], $0x7D0  }
0x43: {  	[sflag:s17] =	ssyncset.done $0x0  }
0x44: {  	s29 =	sadd.s32 $0x5000, s24;
	[sflag:s17] =	ssyncadd.s32 $0xFFFFF830  }
0x45: {  	[spmem:s3] =	stream.indirect.scatter.add.f32 [tilespmem:s15], [sflag:$0x3], $0x10, s29, s14, $0xb8;
	[tilespmem:$0x87A0] =	vst v63  }
0x46: {  	_ =	swait.ge [sflag:s10], $0x7D0  }
0x47: {  	[sflag:s10] =	ssyncset.done $0x0  }
0x48: {  	s30 =	sadd.s32 $0x2900, s24;
	[sflag:s10] =	ssyncadd.s32 $0xFFFFF830  }
0x49: {  	[tilespmem:s15], [sflag:$0x1] =	stream.indirect.gather [hbm4b:s1+s14], $0x10, s30, s14, $0xb8;
	[tilespmem:$0x87A0] =	vst v63  }
0x4a: {  	_ =	swait.ge [sflag:s18], $0x7D0  }
0x4b: {  	[sflag:s18] =	ssyncset.done $0x0  }
0x4c: {  	s31 =	sadd.s32 $0x5080, s24;
	[sflag:s18] =	ssyncadd.s32 $0xFFFFF830  }
0x4d: {  	[spmem:s3] =	stream.indirect.scatter.add.f32 [tilespmem:s16], [sflag:$0x3], $0x10, s31, s14, $0xb8;
	[tilespmem:$0x87A0] =	vst v63  }
0x4e: {  	_ =	swait.ge [sflag:s10], $0x7D0  }
0x4f: {  	[sflag:s10] =	ssyncset.done $0x0  }
0x50: {  	[sflag:s10] =	ssyncadd.s32 $0xFFFFF830  }
0x51: {  	[tilespmem:s16], [sflag:$0x2] =	stream.indirect.gather [hbm4b:s1+s14], $0x10, s19, s14, $0xb8;
	[tilespmem:$0x87A0] =	vst v63  }
0x52: {  	_ =	swait.ge [sflag:s17], $0x7D0  }
0x53: {  	[sflag:s17] =	ssyncset.done $0x0  }
0x54: {  	[sflag:s17] =	ssyncadd.s32 $0xFFFFF830  }
0x55: {  	[spmem:s3] =	stream.indirect.scatter.add.f32 [tilespmem:s15], [sflag:$0x3], $0x10, s20, s14, $0xb8;
	[tilespmem:$0x87A0] =	vst v63  }
0x56: {  	_ =	swait.ge [sflag:s10], $0x7D0  }
0x57: {  	[sflag:s10] =	ssyncset.done $0x0  }
0x58: {  	[sflag:s10] =	ssyncadd.s32 $0xFFFFF830  }
0x59: {  	_ =	swait.ge [sflag:s18], $0x7D0  }
0x5a: {  	[sflag:s18] =	ssyncset.done $0x0  }
0x5b: {  	[sflag:s18] =	ssyncadd.s32 $0xFFFFF830  }
0x5c: {  	[spmem:s3] =	stream.indirect.scatter.add.f32 [tilespmem:s16], [sflag:$0x3], $0x10, s21, s14, $0xb8;
	[tilespmem:$0x87A0] =	vst v63  }
0x5d: {  	_ =	swait.ge [sflag:s10], $0x7D0  }
0x5e: {  	s23 =	sadd.s32 $0x1, s23;
	[sflag:s10] =	ssyncset.done $0x0  }
0x5f: {  	p0 =	sne.s32 s23, s8;
	[sflag:s10] =	ssyncadd.s32 $0xFFFFF830  }
.Ltmp1:
0x60: {  	[bflag:$0x0] =	sbarrier.arrive $0xFFFF;
	(pc) =	sbr.rel @p0 .LBB2_1-.Ltmp1, $4  }
0x61: {  	[hbm:s22], [sflag:s12] =	dma.local [spmem:s13], $0x500  }
0x62: {  	_ =	swait.ge [sflag:s10], $0x500  }
0x63: {  	[sflag:s10] =	ssyncset.done $0x0  }
0x64: {  	[sflag:s10] =	ssyncadd.s32 $0xFFFFFB00  }
0x65: {  	_ =	sfence.sel $0x180000  }
0x66: {  	[bflag:$0x0] =	sbarrier.arrive $0xFFFF  }
0x67: {  	p0 =	sne.s32 s2, $0x0;
	_ =	strace $0x9000004A  }
0x68: {  	s0 =	sadd.s32 @!p0 $0x100000, s0;
	[bflag:$0x2] =	sbarrier.arrive $0xFFFF  }
0x69: {  	[sflag:s0] =	ssyncadd.tile.s32 @!p0 $0x1;
	_ =	shalt  }
.Lfunc_end2:
_tile_overlayer_lowered:
.L_overlay_start_2:
0x6a: {  	(tag) =	ssettag $0x2  }
0x6b: {  	s0 =	rddreg [dreg:$0x0];
	s2 =	stileid.u32  }
0x6c: {  	s1 =	rddreg [dreg:$0x1];
	p0 =	sne.s32 s2, $0x0  }
0x6d: {  	s3 =	rddreg [dreg:$0x2];
	[bflag:$0x3] =	sbarrier.arrive $0xFFFF;
	s2 =	simm.s32 @!p0 $0x1C03  }
0x6e: {  	[timem:s3], [sflag:s2] =	dma.local @!p0 [hbm:s0], s1  }
0x6f: {  	s0 =	simm.s32 @!p0 $0x3  }
0x70: {  	_ =	swait.ge @!p0 [sflag:s0], s1  }
0x71: {  	s1 =	ssub.s32 @!p0 $0x0, s1;
	[sflag:s0] =	ssyncset.done @!p0 $0x0  }
0x72: {  	[sflag:s0] =	ssyncadd.s32 @!p0 s1  }
0x73: {  	[bflag:$0x3] =	sbarrier.arrive $0xFFFF  }
0x74: {  	_ =	shalt  }

// kernel: kernel.17.cloned.1.call-start
scs
__scs_entry_jumppad:
0x0: {  	(pc) =	sbr.rel $0x88, $3  }
0x1: {  	(tag) =	ssettag $0x0;
	lr =	simm.s32 $0x1  }
0x2: {  	[smem:$0x3F93] =	sst lr;
	_ =	strace $0xD0000000  }
0x3: {  	_ = 	snop  }
0x4: {  	_ = 	snop  }
0x5: {  	_ = 	snop  }
0x6: {  	_ = 	snop  }
0x7: {  	_ = 	snop  }
__scs_overlays_trampoline_lowered:
0x8: {  	[smem:$0x3FA2] =	sst s0  }
0x9: {  	[smem:$0x3FA3] =	sst s1  }
0xa: {  	[smem:$0x3FA4] =	sst s2  }
0xb: {  	[smem:$0x3FA5] =	sst s3  }
0xc: {  	[smem:$0x3FA6] =	sst s4  }
0xd: {  	[smem:$0x3FA7] =	sst s5  }
0xe: {  	[smem:$0x3FA8] =	sst s6  }
0xf: {  	[smem:$0x3FA9] =	sst s7  }
0x10: {  	[smem:$0x3FAA] =	sst s8  }
0x11: {  	[smem:$0x3FAB] =	sst s9;
	s0 =	simm.s32 @!p0 $0x0  }
0x12: {  	s1 =	sld [smem:$0x3F91];
	s0 =	simm.s32 @p0 $0x1  }
0x13: {  	[smem:$0x3FAC] =	sst s0;
	s0 =	simm.s32 @!p1 $0x0  }
0x14: {  	s2 =	sld [smem:$0x3F90];
	s0 =	simm.s32 @p1 $0x1  }
0x15: {  	[smem:$0x3FAD] =	sst s0;
	s0 =	simm.s32 @!p2 $0x0  }
0x16: {  	s3 =	sld [smem:$0x3FDB];
	s0 =	simm.s32 @p2 $0x1  }
0x17: {  	s4 =	simm.s32 $0x1BF5;
	[smem:$0x3FAF] =	sst s0  }
0x18: {  	s0 =	sld [smem:$0x3F92];
	_ =	swait.ge [sflag:s4], $0x0  }
0x19: {  	s7 =	sld [smem:$0x3F93]  }
0x1a: {  	s8 =	sadd.s32 $0xFFFFE003, lr  }
0x1b: {  	s9 =	sadd.s32 $0xFFFFFEF7, lr;
	s5 =	simm.s32 $0xFFFFFFFF;
	p2 =	slt.u32 s8, $0xFFFFF086  }
0x1c: {  	p1 =	slt.u32 s9, $0xF7A;
	s5 =	simm.s32 @!p2 $0x0  }
0x1d: {  	s5 =	simm.s32 @p1 $0x1;
	p0 =	seq.s32 s7, s2  }
0x1e: {  	s7 =	smul.u32 @!p0 $0xF7A, s2;
	p2 =	seq.s32 @!p0 s5, $0x0  }
0x1f: {  	s9 =	smul.u32 $0xF7A, s1;
	s8 =	simm.s32 @!p0 $0x1BF5;
	p2 =	por !p2, p0  }
0x20: {  	[sflag:s8] =	ssyncset.s32 @!p0 $0xFFFFF086;
	s6 =	sadd.s32 @!p0 s3, s7;
	s7 =	simm.s32 @!p0 $0x108  }
0x21: {  	s3 =	sadd.s32 s3, s9;
	s6 =	sadd.s32 @!p0 $0x88, s6;
	s7 =	simm.s32 @p2 $0x1082  }
0x22: {  	[simem:s7], [sflag:s8] =	dma.local @!p0 [hbm:s6], $0xF7A  }
0x23: {  	s9 =	sor.u32 $0xD0000000, s2;
	s6 =	simm.s32 $0x108;
	_ =	swait.ge @!p0 [sflag:s8], $0x0  }
0x24: {  	s3 =	sadd.s32 $0x88, s3;
	s6 =	simm.s32 @!p1 $0x1082;
	[sflag:s4] =	ssyncset.s32 $0xFFFFF086  }
0x25: {  	[simem:s6], [sflag:s4] =	dma.local [hbm:s3], $0xF7A  }
0x26: {  	[smem:$0x3F93] =	sst s1;
	(tag) =	ssettag s2;
	_ =	strace s9  }
0x27: {  	s1 =	sld [smem:$0x3FA3]  }
0x28: {  	s2 =	sld [smem:$0x3FA4]  }
0x29: {  	s4 =	sld [smem:$0x3FA6]  }
0x2a: {  	p0 =	seq.s32 s5, $0x0;
	s5 =	sld [smem:$0x3FA7]  }
0x2b: {  	s6 =	sld [smem:$0x3FA8]  }
0x2c: {  	s7 =	sld [smem:$0x3FA9]  }
0x2d: {  	s3 =	simm.s32 $0x108;
	s8 =	sld [smem:$0x3FAA]  }
0x2e: {  	s3 =	simm.s32 @!p0 $0x1082;
	s9 =	sld [smem:$0x3FAB]  }
0x2f: {  	lr =	sadd.s32 s0, s3;
	s0 =	sld [smem:$0x3FA2]  }
0x30: {  	s3 =	sld [smem:$0x3FA5]  }
0x31: {  	[smem:$0x3FAE] =	sst s10  }
0x32: {  	s10 =	sld [smem:$0x3FAC];
	_ =	sdelay $0x3  }
0x33: {  	p0 =	seq.s32 s10, $0x1;
	s10 =	sld [smem:$0x3FAE];
	_ =	sdelay $0x3  }
0x34: {  	[smem:$0x3FAE] =	sst s10  }
0x35: {  	s10 =	sld [smem:$0x3FAD];
	_ =	sdelay $0x3  }
0x36: {  	p1 =	seq.s32 s10, $0x1;
	s10 =	sld [smem:$0x3FAE];
	_ =	sdelay $0x3  }
0x37: {  	[smem:$0x3FAE] =	sst s10  }
0x38: {  	s10 =	sld [smem:$0x3FAF]  }
0x39: {  	_ = 	snop;
	(pc) =	sbr.ind lr, $3  }
0x3a: {  	_ = 	snop  }
0x3b: {  	_ = 	snop  }
0x3c: {  	p2 =	seq.s32 s10, $0x1;
	s10 =	sld [smem:$0x3FAE]  }
0x3d: {  	_ =	shalt  }
0x3e: {  	_ =	shalt  }
0x3f: {  	_ =	shalt  }
0x40: {  	_ =	shalt  }
0x41: {  	_ =	shalt  }
0x42: {  	_ =	shalt  }
0x43: {  	_ =	shalt  }
0x44: {  	_ =	shalt  }
0x45: {  	_ =	shalt  }
0x46: {  	_ =	shalt  }
0x47: {  	_ =	shalt  }
0x48: {  	_ =	shalt  }
0x49: {  	_ =	shalt  }
0x4a: {  	_ =	shalt  }
0x4b: {  	_ =	shalt  }
0x4c: {  	_ =	shalt  }
0x4d: {  	_ =	shalt  }
0x4e: {  	_ =	shalt  }
0x4f: {  	_ =	shalt  }
0x50: {  	_ =	shalt  }
0x51: {  	_ =	shalt  }
0x52: {  	_ =	shalt  }
0x53: {  	_ =	shalt  }
0x54: {  	_ =	shalt  }
0x55: {  	_ =	shalt  }
0x56: {  	_ =	shalt  }
0x57: {  	_ =	shalt  }
0x58: {  	_ =	shalt  }
0x59: {  	_ =	shalt  }
0x5a: {  	_ =	shalt  }
0x5b: {  	_ =	shalt  }
0x5c: {  	_ =	shalt  }
0x5d: {  	_ =	shalt  }
0x5e: {  	_ =	shalt  }
0x5f: {  	_ =	shalt  }
0x60: {  	_ =	shalt  }
0x61: {  	_ =	shalt  }
0x62: {  	_ =	shalt  }
0x63: {  	_ =	shalt  }
0x64: {  	_ =	shalt  }
0x65: {  	_ =	shalt  }
0x66: {  	_ =	shalt  }
0x67: {  	_ =	shalt  }
0x68: {  	_ =	shalt  }
0x69: {  	_ =	shalt  }
0x6a: {  	_ =	shalt  }
0x6b: {  	_ =	shalt  }
0x6c: {  	_ =	shalt  }
0x6d: {  	_ =	shalt  }
0x6e: {  	_ =	shalt  }
0x6f: {  	_ =	shalt  }
0x70: {  	_ =	shalt  }
0x71: {  	_ =	shalt  }
0x72: {  	_ =	shalt  }
0x73: {  	_ =	shalt  }
0x74: {  	_ =	shalt  }
0x75: {  	_ =	shalt  }
0x76: {  	_ =	shalt  }
0x77: {  	_ =	shalt  }
0x78: {  	_ =	shalt  }
0x79: {  	_ =	shalt  }
0x7a: {  	_ =	shalt  }
0x7b: {  	_ =	shalt  }
0x7c: {  	_ =	shalt  }
0x7d: {  	_ =	shalt  }
0x7e: {  	_ =	shalt  }
0x7f: {  	_ =	shalt  }
0x80: {  	_ =	shalt  }
0x81: {  	_ =	shalt  }
0x82: {  	_ =	shalt  }
0x83: {  	_ =	shalt  }
0x84: {  	_ =	shalt  }
0x85: {  	_ =	shalt  }
0x86: {  	_ =	shalt  }
0x87: {  	_ =	shalt  }
.Lfunc_end0:
.L_simem_size_0:
called_computation.2_lowered:
.L_overlay_start_0:
0x88: {  	s2 =	sld [smem:$0x3FD9]  }
0x89: {  	s3 =	sld [smem:$0x3FFE];
	_ =	sdelay $0x1  }
0x8a: {  	s1 =	srdreg.scid  }
0x8b: {  	s0 =	sand.u32 $0x1, s1  }
0x8c: {  	s14 =	sshll.u32 s0, $0xA;
	s2 =	sadd.s32 s3, s2  }
0x8d: {  	s2 =	sadd.s32 s2, s14  }
0x8e: {  	[smem:$0x3FBA] =	sst s2  }
0x8f: {  	_ = 	snop  }
0x90: {  	s2 =	sld [smem:$0x3FD0];
	_ =	sdelay $0x2  }
0x91: {  	s15 =	simm.s32 $0xA;
	s4 =	simm.s32 $0x10  }
0x92: {  	[smem:s4], [sflag:s15] =	dma.local [hbm:s2], $0x1  }
0x93: {  	_ =	swait.eq [sflag:s15], $0x1  }
0x94: {  	[sflag:s15] =	ssyncset.done $0x0  }
0x95: {  	[sflag:s15] =	ssyncadd.s32 $0xFFFFFFFF  }
0x96: {  	s16 =	sld [smem:$0x10];
	(tm) =	ssettm $0x1  }
0x97: {  	s17 =	sld [smem:$0x3FFB];
	_ =	sdelay $0x3  }
0x98: {  	_ =	strace s17  }
0x99: {  	s3 =	sld [smem:$0x3FFC];
	_ =	sdelay $0x3  }
0x9a: {  	_ =	strace s3  }
0x9b: {  	s3 =	sld [smem:$0x3FFD];
	_ =	sdelay $0x3  }
0x9c: {  	_ =	strace s3  }
0x9d: {  	_ =	strace $0x8FFFFFFF  }
0x9e: {  	s18 =	sld [smem:$0x3FDB];
	_ =	sdelay $0x1  }
0x9f: {  	s19 =	simm.s32 $_scs_section_size  }
0xa0: {  	s5 =	simm.s32 $_size__tile_overlayer_lowered;
	s6 =	simm.s32 $_tile_overlayer_lowered  }
0xa1: {  	s22 =	simm.s32 $0x1BFF;
	s21 =	sshll.u32 s6, $0x1;
	s3 =	sadd.s32 s19, s18  }
0xa2: {  	s7 =	simm.s32 $0x0;
	s20 =	sshll.u32 s5, $0x1;
	s5 =	sadd.s32 s21, s3  }
0xa3: {  	[timem:s7], [sflag:s22] =	dma.local [hbm:s5], s20  }
0xa4: {  	_ =	swait.ge [sflag:s22], s20  }
0xa5: {  	s4 =	ssub.s32 $0x0, s20;
	[sflag:s22] =	ssyncset.done $0x0  }
0xa6: {  	[sflag:s22] =	ssyncadd.s32 s4;
	_ =	sdelay $0x1  }
0xa7: {  	s23 =	simm.s32 $0x1B8B  }
0xa8: {  	_ =	swait.ge [sflag:s23], $0x1  }
0xa9: {  	[sflag:s23] =	ssyncset.done $0x0  }
0xaa: {  	s25 =	simm.s32 $0x1B8E;
	s24 =	sld [smem:$0x3FFE];
	[sflag:s23] =	ssyncadd.s32 $0xFFFFFFFF  }
0xab: {  	s26 =	simm.s32 $execute0_lowered;
	[smem:$0x3FD2] =	sst s25  }
0xac: {  	s5 =	sshll.u32 s26, $0x1;
	_ =	strace $0x8000004C;
	[dreg:$0x1] =	wrdreg $0xFFFFFFFF  }
0xad: {  	s28 =	simm.s32 $_size_execute0_lowered;
	s3 =	sadd.s32 s3, s5;
	[dreg:$0x0] =	wrdreg $0x0  }
0xae: {  	s5 =	sshll.u32 s28, $0x1;
	[dreg:$0x2] =	wrdreg s3  }
0xaf: {  	[dreg:$0x3] =	wrdreg s5  }
0xb0: {  	[dreg:$0x4] =	wrdreg $0xC0  }
0xb1: {  	_ =	task [dreg:s7], $0x5FFFF  }
0xb2: {  	[dreg:$0x1] =	wrdreg $0xFFFFFFFF  }
0xb3: {  	[dreg:$0x0] =	wrdreg $0x60  }
0xb4: {  	[dreg:$0x2] =	wrdreg s16  }
0xb5: {  	[dreg:$0x3] =	wrdreg s24  }
0xb6: {  	[dreg:$0x4] =	wrdreg $0x0  }
0xb7: {  	[dreg:$0x5] =	wrdreg $0x9  }
0xb8: {  	_ =	task.clear_ibuf [dreg:s7], $0x6FFFF;
	_ =	strace $0x9000004C  }
0xb9: {  	s29 =	simm.s32 $0x9;
	_ =	strace $0x8000004E  }
0xba: {  	_ =	swait.ge [sflag:s29], $0x1  }
0xbb: {  	[sflag:s29] =	ssyncadd.s32 $0xFFFFFFFF  }
0xbc: {  	_ =	strace $0x9000004E  }
0xbd: {  	_ =	sfence  }
0xbe: {  	s30 =	sld [smem:$0x0];
	_ =	sdelay $0x2  }
0xbf: {  	s31 =	sshll.u32 s1, $0xD;
	s1 =	sshrl.u32 s1, $0x2  }
0xc0: {  	s3 =	sand.u32 $0x4000, s31;
	s1 =	sadd.s32 s1, s30  }
0xc1: {  	s0 =	sor.u32 s3, s0;
	s1 =	sshll.u32 s1, $0x11  }
0xc2: {  	s0 =	sor.u32 s1, s0  }
0xc3: {  	s0 =	sadd.s32 $0x8F2B, s0  }
0xc4: {  	[sflag:s0] =	ssyncadd.remote.s32 $0x1  }
0xc5: {  	_ =	sfence.sel $0xFFFF  }
0xc6: {  	[dreg:$0x0] =	wrdreg $0xFFFFFFFF;
	(pc) =	sbr.abs _section_cstart, $3  }
0xc7: {  	[dreg:$0x1] =	wrdreg $0xFFFFFFFF  }
0xc8: {  	_ =	task.clear_ibuf [dreg:s7], $0x2FFFF;
	_ =	strace $0x9FFFFFFF  }
0xc9: {  	(tm) =	ssettm $0x7FFFFFFF  }
tec
execute0_lowered:
.L_overlay_start_1:
0x0: {  	(tag) =	ssettag $0x1  }
0x1: {  	s1 =	rddreg [dreg:$0x0]  }
0x2: {  	s5 =	rddreg [dreg:$0x1]  }
0x3: {  	s3 =	rddreg [dreg:$0x2]  }
0x4: {  	s0 =	rddreg [dreg:$0x3];
	s6 =	srdreg.scid  }
0x5: {  	s2 =	stileid.u32;
	s4 =	simm.s32 $0x0;
	s14 =	simm.s32 $0x7D  }
0x6: {  	s15 =	simm.s32 $0x7800;
	s16 =	simm.s32 $0x7FD0;
	s17 =	simm.s32 $0x1  }
0x7: {  	s18 =	simm.s32 $0x2;
	s19 =	simm.s32 $0x4F80;
	s20 =	simm.s32 $0x7700  }
0x8: {  	s21 =	simm.s32 $0x7780;
	s6 =	sand.u32 $0x1, s6;
	s7 =	sshll.u32 s2, $0x1  }
0x9: {  	[smem:$0x7FF] =	sst s4;
	s8 =	smul.u32 $0x2800, s2;
	s12 =	sshll.u32 s2, $0x6  }
0xa: {  	s7 =	sor.u32 s6, s7;
	_ =	strace $0x8000004D;
	s9 =	smul.u32 $0x5000, s6  }
0xb: {  	s6 =	ssub.s32 $0x2, s6;
	s12 =	sor.u32 $0x1C03, s12;
	s7 =	smul.u32 $0x500, s7  }
0xc: {  	s22 =	sshrl.u32 s8, $0x3;
	s11 =	sshrl.u32 s6, $0x1;
	s13 =	sadd.s32 s8, s3  }
0xd: {  	s10 =	sadd.s32 s22, s5;
	s9 =	sadd.s32 s9, s5;
	s11 =	ssub.s32 s6, s11  }
0xe: {  	s13 =	sshrl.u32 s13, $0x3;
	s7 =	sadd.s32 s7, s5;
	s23 =	sadd.s32 $0x20800, s9  }
0xf: {  	s8 =	smax.u32 s11, $0x1;
	s9 =	simm.s32 $0x2800;
	s11 =	simm.s32 $0x5000  }
0x10: {  	s5 =	sadd.s32 $0x16800, s7;
	s6 =	sadd.s32 $0xC800, s7;
	s7 =	sadd.s32 $0x2A00, s10  }
0x11: {  	s10 =	simm.s32 $0x3;
	s22 =	sadd.s32 s22, s23;
	s23 =	simm.s32 $0x0  }
.LBB2_1:
0x12: {  	[tilespmem:s9], [sflag:$0x3] =	stream.linear.gather [hbm4b:s5+s4], $0x2800, $0x38;
	[tilespmem:$0x87A0] =	vst v63  }
0x13: {  	_ =	swait.ge [sflag:s10], $0x2800  }
0x14: {  	[sflag:s10] =	ssyncset.done $0x0  }
0x15: {  	[sflag:s10] =	ssyncadd.s32 $0xFFFFD800  }
0x16: {  	[tilespmem:s11], [sflag:$0x3] =	stream.linear.gather [hbm4b:s6+s4], $0x2800, $0x38;
	[tilespmem:$0x87A0] =	vst v63  }
0x17: {  	_ =	swait.ge [sflag:s10], $0x2800  }
0x18: {  	[sflag:s10] =	ssyncset.done $0x0  }
0x19: {  	[sflag:s10] =	ssyncadd.s32 $0xFFFFD800  }
0x1a: {  	[spmem:s13], [sflag:s12] =	dma.local [hbm:s7], $0x500  }
0x1b: {  	_ =	swait.ge [sflag:s10], $0x500  }
0x1c: {  	[sflag:s10] =	ssyncset.done $0x0  }
0x1d: {  	[sflag:s10] =	ssyncadd.s32 $0xFFFFFB00  }
0x1e: {  	[tilespmem:s15], [sflag:$0x1] =	stream.indirect.gather [hbm4b:s1+s14], $0x10, s9, s14, $0xb8;
	[tilespmem:$0x87A0] =	vst v63  }
0x1f: {  	s24 =	simm.s32 $0x2880;
	[bflag:$0x0] =	sbarrier.arrive $0xFFFF  }
0x20: {  	[tilespmem:s16], [sflag:$0x2] =	stream.indirect.gather [hbm4b:s1+s14], $0x10, s24, s14, $0xb8;
	[tilespmem:$0x87A0] =	vst v63  }
0x21: {  	_ =	swait.ge [sflag:s17], $0x7D0  }
0x22: {  	[sflag:s17] =	ssyncset.done $0x0  }
0x23: {  	s29 =	simm.s32 $0x5000;
	[sflag:s17] =	ssyncadd.s32 $0xFFFFF830  }
0x24: {  	[spmem:s3] =	stream.indirect.scatter.add.f32 [tilespmem:s15], [sflag:$0x3], $0x10, s29, s14, $0xb8;
	[tilespmem:$0x87A0] =	vst v63  }
0x25: {  	_ =	swait.ge [sflag:s10], $0x7D0  }
0x26: {  	[sflag:s10] =	ssyncset.done $0x0  }
0x27: {  	s30 =	simm.s32 $0x2900;
	[sflag:s10] =	ssyncadd.s32 $0xFFFFF830  }
0x28: {  	[tilespmem:s15], [sflag:$0x1] =	stream.indirect.gather [hbm4b:s1+s14], $0x10, s30, s14, $0xb8;
	[tilespmem:$0x87A0] =	vst v63  }
0x29: {  	_ =	swait.ge [sflag:s18], $0x7D0  }
0x2a: {  	[sflag:s18] =	ssyncset.done $0x0  }
0x2b: {  	s31 =	simm.s32 $0x5080;
	[sflag:s18] =	ssyncadd.s32 $0xFFFFF830  }
0x2c: {  	[spmem:s3] =	stream.indirect.scatter.add.f32 [tilespmem:s16], [sflag:$0x3], $0x10, s31, s14, $0xb8;
	[tilespmem:$0x87A0] =	vst v63  }
0x2d: {  	_ =	swait.ge [sflag:s10], $0x7D0  }
0x2e: {  	s25 =	simm.s32 $0x800;
	s24 =	simm.s32 $0x100;
	[sflag:s10] =	ssyncset.done $0x0  }
.LBB2_2:
0x2f: {  	s26 =	sadd.s32 $0x2880, s24  }
0x30: {  	[sflag:s10] =	ssyncadd.s32 $0xFFFFF830;
	s28 =	smov.u32 s25;
	s29 =	sadd.s32 $0x400, s25  }
0x31: {  	[tilespmem:s16], [sflag:$0x2] =	stream.indirect.gather [hbm4b:s1+s14], $0x10, s26, s14, $0xb8;
	[tilespmem:$0x87A0] =	vst v63  }
0x32: {  	p0 =	sne.s32 s25, $0x9800;
	_ =	swait.ge [sflag:s17], $0x7D0  }
0x33: {  	[sflag:s17] =	ssyncset.done $0x0  }
0x34: {  	s25 =	sadd.s32 $0x5000, s24;
	[sflag:s17] =	ssyncadd.s32 $0xFFFFF830  }
0x35: {  	[spmem:s3] =	stream.indirect.scatter.add.f32 [tilespmem:s15], [sflag:$0x3], $0x10, s25, s14, $0xb8;
	[tilespmem:$0x87A0] =	vst v63  }
0x36: {  	_ =	swait.ge [sflag:s10], $0x7D0  }
0x37: {  	[sflag:s10] =	ssyncset.done $0x0  }
0x38: {  	s25 =	sadd.s32 $0x2900, s24;
	[sflag:s10] =	ssyncadd.s32 $0xFFFFF830  }
0x39: {  	[tilespmem:s15], [sflag:$0x1] =	stream.indirect.gather [hbm4b:s1+s14], $0x10, s25, s14, $0xb8;
	[tilespmem:$0x87A0] =	vst v63  }
0x3a: {  	_ =	swait.ge [sflag:s18], $0x7D0  }
.Ltmp0:
0x3b: {  	[sflag:s18] =	ssyncset.done $0x0;
	(pc) =	sbr.rel @p0 .LBB2_2-.Ltmp0, $4  }
0x3c: {  	s24 =	sadd.s32 $0x5080, s24;
	[sflag:s18] =	ssyncadd.s32 $0xFFFFF830  }
0x3d: {  	[spmem:s3] =	stream.indirect.scatter.add.f32 [tilespmem:s16], [sflag:$0x3], $0x10, s24, s14, $0xb8;
	[tilespmem:$0x87A0] =	vst v63  }
0x3e: {  	_ =	swait.ge [sflag:s10], $0x7D0  }
0x3f: {  	s25 =	smov.u32 s29;
	s24 =	sshra.s32 s28, $0x2;
	[sflag:s10] =	ssyncset.done $0x0  }
0x40: {  	s25 =	sadd.s32 $0x2880, s24;
	[sflag:s10] =	ssyncadd.s32 $0xFFFFF830  }
0x41: {  	[tilespmem:s16], [sflag:$0x2] =	stream.indirect.gather [hbm4b:s1+s14], $0x10, s25, s14, $0xb8;
	[tilespmem:$0x87A0] =	vst v63  }
0x42: {  	_ =	swait.ge [sflag:s17], $0x7D0  }
0x43: {  	[sflag:s17] =	ssyncset.done $0x0  }
0x44: {  	s29 =	sadd.s32 $0x5000, s24;
	[sflag:s17] =	ssyncadd.s32 $0xFFFFF830  }
0x45: {  	[spmem:s3] =	stream.indirect.scatter.add.f32 [tilespmem:s15], [sflag:$0x3], $0x10, s29, s14, $0xb8;
	[tilespmem:$0x87A0] =	vst v63  }
0x46: {  	_ =	swait.ge [sflag:s10], $0x7D0  }
0x47: {  	[sflag:s10] =	ssyncset.done $0x0  }
0x48: {  	s30 =	sadd.s32 $0x2900, s24;
	[sflag:s10] =	ssyncadd.s32 $0xFFFFF830  }
0x49: {  	[tilespmem:s15], [sflag:$0x1] =	stream.indirect.gather [hbm4b:s1+s14], $0x10, s30, s14, $0xb8;
	[tilespmem:$0x87A0] =	vst v63  }
0x4a: {  	_ =	swait.ge [sflag:s18], $0x7D0  }
0x4b: {  	[sflag:s18] =	ssyncset.done $0x0  }
0x4c: {  	s31 =	sadd.s32 $0x5080, s24;
	[sflag:s18] =	ssyncadd.s32 $0xFFFFF830  }
0x4d: {  	[spmem:s3] =	stream.indirect.scatter.add.f32 [tilespmem:s16], [sflag:$0x3], $0x10, s31, s14, $0xb8;
	[tilespmem:$0x87A0] =	vst v63  }
0x4e: {  	_ =	swait.ge [sflag:s10], $0x7D0  }
0x4f: {  	[sflag:s10] =	ssyncset.done $0x0  }
0x50: {  	[sflag:s10] =	ssyncadd.s32 $0xFFFFF830  }
0x51: {  	[tilespmem:s16], [sflag:$0x2] =	stream.indirect.gather [hbm4b:s1+s14], $0x10, s19, s14, $0xb8;
	[tilespmem:$0x87A0] =	vst v63  }
0x52: {  	_ =	swait.ge [sflag:s17], $0x7D0  }
0x53: {  	[sflag:s17] =	ssyncset.done $0x0  }
0x54: {  	[sflag:s17] =	ssyncadd.s32 $0xFFFFF830  }
0x55: {  	[spmem:s3] =	stream.indirect.scatter.add.f32 [tilespmem:s15], [sflag:$0x3], $0x10, s20, s14, $0xb8;
	[tilespmem:$0x87A0] =	vst v63  }
0x56: {  	_ =	swait.ge [sflag:s10], $0x7D0  }
0x57: {  	[sflag:s10] =	ssyncset.done $0x0  }
0x58: {  	[sflag:s10] =	ssyncadd.s32 $0xFFFFF830  }
0x59: {  	_ =	swait.ge [sflag:s18], $0x7D0  }
0x5a: {  	[sflag:s18] =	ssyncset.done $0x0  }
0x5b: {  	[sflag:s18] =	ssyncadd.s32 $0xFFFFF830  }
0x5c: {  	[spmem:s3] =	stream.indirect.scatter.add.f32 [tilespmem:s16], [sflag:$0x3], $0x10, s21, s14, $0xb8;
	[tilespmem:$0x87A0] =	vst v63  }
0x5d: {  	_ =	swait.ge [sflag:s10], $0x7D0  }
0x5e: {  	s23 =	sadd.s32 $0x1, s23;
	[sflag:s10] =	ssyncset.done $0x0  }
0x5f: {  	p0 =	sne.s32 s23, s8;
	[sflag:s10] =	ssyncadd.s32 $0xFFFFF830  }
.Ltmp1:
0x60: {  	[bflag:$0x0] =	sbarrier.arrive $0xFFFF;
	(pc) =	sbr.rel @p0 .LBB2_1-.Ltmp1, $4  }
0x61: {  	[hbm:s22], [sflag:s12] =	dma.local [spmem:s13], $0x500  }
0x62: {  	_ =	swait.ge [sflag:s10], $0x500  }
0x63: {  	[sflag:s10] =	ssyncset.done $0x0  }
0x64: {  	[sflag:s10] =	ssyncadd.s32 $0xFFFFFB00  }
0x65: {  	_ =	sfence.sel $0x180000  }
0x66: {  	[bflag:$0x0] =	sbarrier.arrive $0xFFFF  }
0x67: {  	p0 =	sne.s32 s2, $0x0;
	_ =	strace $0x9000004D  }
0x68: {  	s0 =	sadd.s32 @!p0 $0x100000, s0;
	[bflag:$0x2] =	sbarrier.arrive $0xFFFF  }
0x69: {  	[sflag:s0] =	ssyncadd.tile.s32 @!p0 $0x1;
	_ =	shalt  }
.Lfunc_end2:
_tile_overlayer_lowered:
.L_overlay_start_2:
0x6a: {  	(tag) =	ssettag $0x2  }
0x6b: {  	s0 =	rddreg [dreg:$0x0];
	s2 =	stileid.u32  }
0x6c: {  	s1 =	rddreg [dreg:$0x1];
	p0 =	sne.s32 s2, $0x0  }
0x6d: {  	s3 =	rddreg [dreg:$0x2];
	[bflag:$0x3] =	sbarrier.arrive $0xFFFF;
	s2 =	simm.s32 @!p0 $0x1C03  }
0x6e: {  	[timem:s3], [sflag:s2] =	dma.local @!p0 [hbm:s0], s1  }
0x6f: {  	s0 =	simm.s32 @!p0 $0x3  }
0x70: {  	_ =	swait.ge @!p0 [sflag:s0], s1  }
0x71: {  	s1 =	ssub.s32 @!p0 $0x0, s1;
	[sflag:s0] =	ssyncset.done @!p0 $0x0  }
0x72: {  	[sflag:s0] =	ssyncadd.s32 @!p0 s1  }
0x73: {  	[bflag:$0x3] =	sbarrier.arrive $0xFFFF  }
0x74: {  	_ =	shalt  }

// kernel: kernel.20.cloned.1.call-start
scs
__scs_entry_jumppad:
0x0: {  	(pc) =	sbr.rel $0x88, $3  }
0x1: {  	(tag) =	ssettag $0x0;
	lr =	simm.s32 $0x1  }
0x2: {  	[smem:$0x3F93] =	sst lr;
	_ =	strace $0xD0000000  }
0x3: {  	_ = 	snop  }
0x4: {  	_ = 	snop  }
0x5: {  	_ = 	snop  }
0x6: {  	_ = 	snop  }
0x7: {  	_ = 	snop  }
__scs_overlays_trampoline_lowered:
0x8: {  	[smem:$0x3FA2] =	sst s0  }
0x9: {  	[smem:$0x3FA3] =	sst s1  }
0xa: {  	[smem:$0x3FA4] =	sst s2  }
0xb: {  	[smem:$0x3FA5] =	sst s3  }
0xc: {  	[smem:$0x3FA6] =	sst s4  }
0xd: {  	[smem:$0x3FA7] =	sst s5  }
0xe: {  	[smem:$0x3FA8] =	sst s6  }
0xf: {  	[smem:$0x3FA9] =	sst s7  }
0x10: {  	[smem:$0x3FAA] =	sst s8  }
0x11: {  	[smem:$0x3FAB] =	sst s9;
	s0 =	simm.s32 @!p0 $0x0  }
0x12: {  	s1 =	sld [smem:$0x3F91];
	s0 =	simm.s32 @p0 $0x1  }
0x13: {  	[smem:$0x3FAC] =	sst s0;
	s0 =	simm.s32 @!p1 $0x0  }
0x14: {  	s2 =	sld [smem:$0x3F90];
	s0 =	simm.s32 @p1 $0x1  }
0x15: {  	[smem:$0x3FAD] =	sst s0;
	s0 =	simm.s32 @!p2 $0x0  }
0x16: {  	s3 =	sld [smem:$0x3FDB];
	s0 =	simm.s32 @p2 $0x1  }
0x17: {  	s4 =	simm.s32 $0x1BF5;
	[smem:$0x3FAF] =	sst s0  }
0x18: {  	s0 =	sld [smem:$0x3F92];
	_ =	swait.ge [sflag:s4], $0x0  }
0x19: {  	s7 =	sld [smem:$0x3F93]  }
0x1a: {  	s8 =	sadd.s32 $0xFFFFE003, lr  }
0x1b: {  	s9 =	sadd.s32 $0xFFFFFEF7, lr;
	s5 =	simm.s32 $0xFFFFFFFF;
	p2 =	slt.u32 s8, $0xFFFFF086  }
0x1c: {  	p1 =	slt.u32 s9, $0xF7A;
	s5 =	simm.s32 @!p2 $0x0  }
0x1d: {  	s5 =	simm.s32 @p1 $0x1;
	p0 =	seq.s32 s7, s2  }
0x1e: {  	s7 =	smul.u32 @!p0 $0xF7A, s2;
	p2 =	seq.s32 @!p0 s5, $0x0  }
0x1f: {  	s9 =	smul.u32 $0xF7A, s1;
	s8 =	simm.s32 @!p0 $0x1BF5;
	p2 =	por !p2, p0  }
0x20: {  	[sflag:s8] =	ssyncset.s32 @!p0 $0xFFFFF086;
	s6 =	sadd.s32 @!p0 s3, s7;
	s7 =	simm.s32 @!p0 $0x108  }
0x21: {  	s3 =	sadd.s32 s3, s9;
	s6 =	sadd.s32 @!p0 $0x88, s6;
	s7 =	simm.s32 @p2 $0x1082  }
0x22: {  	[simem:s7], [sflag:s8] =	dma.local @!p0 [hbm:s6], $0xF7A  }
0x23: {  	s9 =	sor.u32 $0xD0000000, s2;
	s6 =	simm.s32 $0x108;
	_ =	swait.ge @!p0 [sflag:s8], $0x0  }
0x24: {  	s3 =	sadd.s32 $0x88, s3;
	s6 =	simm.s32 @!p1 $0x1082;
	[sflag:s4] =	ssyncset.s32 $0xFFFFF086  }
0x25: {  	[simem:s6], [sflag:s4] =	dma.local [hbm:s3], $0xF7A  }
0x26: {  	[smem:$0x3F93] =	sst s1;
	(tag) =	ssettag s2;
	_ =	strace s9  }
0x27: {  	s1 =	sld [smem:$0x3FA3]  }
0x28: {  	s2 =	sld [smem:$0x3FA4]  }
0x29: {  	s4 =	sld [smem:$0x3FA6]  }
0x2a: {  	p0 =	seq.s32 s5, $0x0;
	s5 =	sld [smem:$0x3FA7]  }
0x2b: {  	s6 =	sld [smem:$0x3FA8]  }
0x2c: {  	s7 =	sld [smem:$0x3FA9]  }
0x2d: {  	s3 =	simm.s32 $0x108;
	s8 =	sld [smem:$0x3FAA]  }
0x2e: {  	s3 =	simm.s32 @!p0 $0x1082;
	s9 =	sld [smem:$0x3FAB]  }
0x2f: {  	lr =	sadd.s32 s0, s3;
	s0 =	sld [smem:$0x3FA2]  }
0x30: {  	s3 =	sld [smem:$0x3FA5]  }
0x31: {  	[smem:$0x3FAE] =	sst s10  }
0x32: {  	s10 =	sld [smem:$0x3FAC];
	_ =	sdelay $0x3  }
0x33: {  	p0 =	seq.s32 s10, $0x1;
	s10 =	sld [smem:$0x3FAE];
	_ =	sdelay $0x3  }
0x34: {  	[smem:$0x3FAE] =	sst s10  }
0x35: {  	s10 =	sld [smem:$0x3FAD];
	_ =	sdelay $0x3  }
0x36: {  	p1 =	seq.s32 s10, $0x1;
	s10 =	sld [smem:$0x3FAE];
	_ =	sdelay $0x3  }
0x37: {  	[smem:$0x3FAE] =	sst s10  }
0x38: {  	s10 =	sld [smem:$0x3FAF]  }
0x39: {  	_ = 	snop;
	(pc) =	sbr.ind lr, $3  }
0x3a: {  	_ = 	snop  }
0x3b: {  	_ = 	snop  }
0x3c: {  	p2 =	seq.s32 s10, $0x1;
	s10 =	sld [smem:$0x3FAE]  }
0x3d: {  	_ =	shalt  }
0x3e: {  	_ =	shalt  }
0x3f: {  	_ =	shalt  }
0x40: {  	_ =	shalt  }
0x41: {  	_ =	shalt  }
0x42: {  	_ =	shalt  }
0x43: {  	_ =	shalt  }
0x44: {  	_ =	shalt  }
0x45: {  	_ =	shalt  }
0x46: {  	_ =	shalt  }
0x47: {  	_ =	shalt  }
0x48: {  	_ =	shalt  }
0x49: {  	_ =	shalt  }
0x4a: {  	_ =	shalt  }
0x4b: {  	_ =	shalt  }
0x4c: {  	_ =	shalt  }
0x4d: {  	_ =	shalt  }
0x4e: {  	_ =	shalt  }
0x4f: {  	_ =	shalt  }
0x50: {  	_ =	shalt  }
0x51: {  	_ =	shalt  }
0x52: {  	_ =	shalt  }
0x53: {  	_ =	shalt  }
0x54: {  	_ =	shalt  }
0x55: {  	_ =	shalt  }
0x56: {  	_ =	shalt  }
0x57: {  	_ =	shalt  }
0x58: {  	_ =	shalt  }
0x59: {  	_ =	shalt  }
0x5a: {  	_ =	shalt  }
0x5b: {  	_ =	shalt  }
0x5c: {  	_ =	shalt  }
0x5d: {  	_ =	shalt  }
0x5e: {  	_ =	shalt  }
0x5f: {  	_ =	shalt  }
0x60: {  	_ =	shalt  }
0x61: {  	_ =	shalt  }
0x62: {  	_ =	shalt  }
0x63: {  	_ =	shalt  }
0x64: {  	_ =	shalt  }
0x65: {  	_ =	shalt  }
0x66: {  	_ =	shalt  }
0x67: {  	_ =	shalt  }
0x68: {  	_ =	shalt  }
0x69: {  	_ =	shalt  }
0x6a: {  	_ =	shalt  }
0x6b: {  	_ =	shalt  }
0x6c: {  	_ =	shalt  }
0x6d: {  	_ =	shalt  }
0x6e: {  	_ =	shalt  }
0x6f: {  	_ =	shalt  }
0x70: {  	_ =	shalt  }
0x71: {  	_ =	shalt  }
0x72: {  	_ =	shalt  }
0x73: {  	_ =	shalt  }
0x74: {  	_ =	shalt  }
0x75: {  	_ =	shalt  }
0x76: {  	_ =	shalt  }
0x77: {  	_ =	shalt  }
0x78: {  	_ =	shalt  }
0x79: {  	_ =	shalt  }
0x7a: {  	_ =	shalt  }
0x7b: {  	_ =	shalt  }
0x7c: {  	_ =	shalt  }
0x7d: {  	_ =	shalt  }
0x7e: {  	_ =	shalt  }
0x7f: {  	_ =	shalt  }
0x80: {  	_ =	shalt  }
0x81: {  	_ =	shalt  }
0x82: {  	_ =	shalt  }
0x83: {  	_ =	shalt  }
0x84: {  	_ =	shalt  }
0x85: {  	_ =	shalt  }
0x86: {  	_ =	shalt  }
0x87: {  	_ =	shalt  }
.Lfunc_end0:
.L_simem_size_0:
called_computation.3_lowered:
.L_overlay_start_0:
0x88: {  	s2 =	sld [smem:$0x3FD9]  }
0x89: {  	s3 =	sld [smem:$0x3FFE];
	_ =	sdelay $0x1  }
0x8a: {  	s1 =	srdreg.scid  }
0x8b: {  	s0 =	sand.u32 $0x1, s1  }
0x8c: {  	s14 =	sshll.u32 s0, $0xA;
	s2 =	sadd.s32 s3, s2  }
0x8d: {  	s2 =	sadd.s32 s2, s14  }
0x8e: {  	[smem:$0x3FBA] =	sst s2  }
0x8f: {  	_ = 	snop  }
0x90: {  	s2 =	sld [smem:$0x3FD0];
	_ =	sdelay $0x2  }
0x91: {  	s15 =	simm.s32 $0xA;
	s4 =	simm.s32 $0x10  }
0x92: {  	[smem:s4], [sflag:s15] =	dma.local [hbm:s2], $0x1  }
0x93: {  	_ =	swait.eq [sflag:s15], $0x1  }
0x94: {  	[sflag:s15] =	ssyncset.done $0x0  }
0x95: {  	[sflag:s15] =	ssyncadd.s32 $0xFFFFFFFF  }
0x96: {  	s16 =	sld [smem:$0x10];
	(tm) =	ssettm $0x1  }
0x97: {  	s17 =	sld [smem:$0x3FFB];
	_ =	sdelay $0x3  }
0x98: {  	_ =	strace s17  }
0x99: {  	s3 =	sld [smem:$0x3FFC];
	_ =	sdelay $0x3  }
0x9a: {  	_ =	strace s3  }
0x9b: {  	s3 =	sld [smem:$0x3FFD];
	_ =	sdelay $0x3  }
0x9c: {  	_ =	strace s3  }
0x9d: {  	_ =	strace $0x8FFFFFFF  }
0x9e: {  	s18 =	sld [smem:$0x3FDB];
	_ =	sdelay $0x1  }
0x9f: {  	s19 =	simm.s32 $_scs_section_size  }
0xa0: {  	s5 =	simm.s32 $_size__tile_overlayer_lowered;
	s6 =	simm.s32 $_tile_overlayer_lowered  }
0xa1: {  	s22 =	simm.s32 $0x1BFF;
	s21 =	sshll.u32 s6, $0x1;
	s3 =	sadd.s32 s19, s18  }
0xa2: {  	s7 =	simm.s32 $0x0;
	s20 =	sshll.u32 s5, $0x1;
	s5 =	sadd.s32 s21, s3  }
0xa3: {  	[timem:s7], [sflag:s22] =	dma.local [hbm:s5], s20  }
0xa4: {  	_ =	swait.ge [sflag:s22], s20  }
0xa5: {  	s4 =	ssub.s32 $0x0, s20;
	[sflag:s22] =	ssyncset.done $0x0  }
0xa6: {  	[sflag:s22] =	ssyncadd.s32 s4;
	_ =	sdelay $0x1  }
0xa7: {  	s23 =	simm.s32 $0x1B8B  }
0xa8: {  	_ =	swait.ge [sflag:s23], $0x1  }
0xa9: {  	[sflag:s23] =	ssyncset.done $0x0  }
0xaa: {  	s25 =	simm.s32 $0x1B8E;
	s24 =	sld [smem:$0x3FFE];
	[sflag:s23] =	ssyncadd.s32 $0xFFFFFFFF  }
0xab: {  	s26 =	simm.s32 $execute0_lowered;
	[smem:$0x3FD2] =	sst s25  }
0xac: {  	s5 =	sshll.u32 s26, $0x1;
	_ =	strace $0x8000004F;
	[dreg:$0x1] =	wrdreg $0xFFFFFFFF  }
0xad: {  	s28 =	simm.s32 $_size_execute0_lowered;
	s3 =	sadd.s32 s3, s5;
	[dreg:$0x0] =	wrdreg $0x0  }
0xae: {  	s5 =	sshll.u32 s28, $0x1;
	[dreg:$0x2] =	wrdreg s3  }
0xaf: {  	[dreg:$0x3] =	wrdreg s5  }
0xb0: {  	[dreg:$0x4] =	wrdreg $0xC0  }
0xb1: {  	_ =	task [dreg:s7], $0x5FFFF  }
0xb2: {  	[dreg:$0x1] =	wrdreg $0xFFFFFFFF  }
0xb3: {  	[dreg:$0x0] =	wrdreg $0x60  }
0xb4: {  	[dreg:$0x2] =	wrdreg s24  }
0xb5: {  	[dreg:$0x3] =	wrdreg s16  }
0xb6: {  	[dreg:$0x4] =	wrdreg $0x9  }
0xb7: {  	_ =	task.clear_ibuf [dreg:s7], $0x5FFFF;
	_ =	strace $0x9000004F  }
0xb8: {  	s29 =	simm.s32 $0x9;
	_ =	strace $0x80000051  }
0xb9: {  	_ =	swait.ge [sflag:s29], $0x1  }
0xba: {  	[sflag:s29] =	ssyncadd.s32 $0xFFFFFFFF  }
0xbb: {  	_ =	strace $0x90000051  }
0xbc: {  	_ =	sfence  }
0xbd: {  	s30 =	sld [smem:$0x0];
	_ =	sdelay $0x2  }
0xbe: {  	s31 =	sshll.u32 s1, $0xD;
	s1 =	sshrl.u32 s1, $0x2  }
0xbf: {  	s3 =	sand.u32 $0x4000, s31;
	s1 =	sadd.s32 s1, s30  }
0xc0: {  	s0 =	sor.u32 s3, s0;
	s1 =	sshll.u32 s1, $0x11  }
0xc1: {  	s0 =	sor.u32 s1, s0  }
0xc2: {  	s0 =	sadd.s32 $0x8F2B, s0  }
0xc3: {  	[sflag:s0] =	ssyncadd.remote.s32 $0x1  }
0xc4: {  	_ =	sfence.sel $0xFFFF  }
0xc5: {  	[dreg:$0x0] =	wrdreg $0xFFFFFFFF;
	(pc) =	sbr.abs _section_cstart, $3  }
0xc6: {  	[dreg:$0x1] =	wrdreg $0xFFFFFFFF  }
0xc7: {  	_ =	task.clear_ibuf [dreg:s7], $0x2FFFF;
	_ =	strace $0x9FFFFFFF  }
0xc8: {  	(tm) =	ssettm $0x7FFFFFFF  }
0xc9: {  	_ =	shalt  }
tec
execute0_lowered:
.L_overlay_start_1:
0x0: {  	(tag) =	ssettag $0x1  }
0x1: {  	s5 =	rddreg [dreg:$0x0]  }
0x2: {  	s1 =	srdreg.scid;
	s0 =	stileid.u32  }
0x3: {  	s8 =	rddreg [dreg:$0x1];
	s2 =	simm.s32 $0x0;
	s12 =	simm.s32 $0x4E20  }
0x4: {  	s13 =	simm.s32 $0x7530;
	s14 =	simm.s32 $0x9C40;
	s15 =	simm.s32 $0xC350  }
0x5: {  	s3 =	sand.u32 $0x1, s1;
	s4 =	sshll.u32 s0, $0x1;
	s1 =	rddreg [dreg:$0x2]  }
0x6: {  	s16 =	simm.s32 $0x0;
	[smem:$0x7FF] =	sst s2;
	s4 =	sor.u32 s3, s4  }
0x7: {  	s6 =	ssub.s32 $0x2, s3;
	_ =	strace $0x80000050;
	s9 =	smul.u32 $0x4E2, s4  }
0x8: {  	s3 =	sadd.s32 $0x2A00, s5;
	s7 =	sshrl.u32 s6, $0x1;
	s4 =	sadd.s32 $0x3000, s5  }
0x9: {  	s11 =	ssub.s32 s6, s7;
	s10 =	sadd.s32 s9, s5;
	s8 =	sadd.s32 s8, s9  }
0xa: {  	s9 =	smax.u32 s11, $0x1;
	s11 =	simm.s32 $0x2710;
	s5 =	sadd.s32 $0x3E400, s10  }
0xb: {  	s6 =	sadd.s32 $0x34600, s10;
	s7 =	sadd.s32 $0x2A800, s10;
	s10 =	simm.s32 $0x1  }
.LBB2_1:
0xc: {  	[tilespmem:s2], [sflag:$0x1] =	stream.linear.gather [hbm4b:s3+s2], $0x2710, $0x38;
	[tilespmem:$0xEA60] =	vst v63  }
0xd: {  	_ =	swait.ge [sflag:s10], $0x2710  }
0xe: {  	[sflag:s10] =	ssyncset.done $0x0  }
0xf: {  	[sflag:s10] =	ssyncadd.s32 $0xFFFFD8F0  }
0x10: {  	[tilespmem:s11], [sflag:$0x1] =	stream.linear.gather [hbm4b:s4+s2], $0x2710, $0x38;
	[tilespmem:$0xEA60] =	vst v63  }
0x11: {  	_ =	swait.ge [sflag:s10], $0x2710  }
0x12: {  	[sflag:s10] =	ssyncset.done $0x0  }
0x13: {  	[sflag:s10] =	ssyncadd.s32 $0xFFFFD8F0  }
0x14: {  	[tilespmem:s12], [sflag:$0x1] =	stream.linear.gather [hbm4b:s5+s2], $0x2710, $0x38;
	[tilespmem:$0xEA60] =	vst v63  }
0x15: {  	_ =	swait.ge [sflag:s10], $0x2710  }
0x16: {  	[sflag:s10] =	ssyncset.done $0x0  }
0x17: {  	[sflag:s10] =	ssyncadd.s32 $0xFFFFD8F0  }
0x18: {  	[tilespmem:s13], [sflag:$0x1] =	stream.linear.gather [hbm4b:s6+s2], $0x2710, $0x38;
	[tilespmem:$0xEA60] =	vst v63  }
0x19: {  	_ =	swait.ge [sflag:s10], $0x2710  }
0x1a: {  	[sflag:s10] =	ssyncset.done $0x0  }
0x1b: {  	[sflag:s10] =	ssyncadd.s32 $0xFFFFD8F0  }
0x1c: {  	[tilespmem:s14], [sflag:$0x1] =	stream.linear.gather [hbm4b:s7+s2], $0x2710, $0x38;
	[tilespmem:$0xEA60] =	vst v63  }
0x1d: {  	_ =	swait.ge [sflag:s10], $0x2710  }
0x1e: {  	[sflag:s10] =	ssyncset.done $0x0  }
0x1f: {  	s17 =	simm.s32 $0x0;
	[sflag:s10] =	ssyncadd.s32 $0xFFFFD8F0  }
0x20: {  	v0 =	vld [tilespmem:s17+$0x7530]  }
0x21: {  	v1 =	vld [tilespmem:s17+$0x4E20];
	_ =	sdelay $0x6  }
0x22: {  	v0 =	vld.idx.msk [tilespmem:v0+s11+$0x0], $0xffff  }
0x23: {  	v2 =	vld.idx.msk [tilespmem:v1+s2+$0x0], $0xffff  }
0x24: {  	s18 =	simm.s32 $0x10;
	v3 =	vld [tilespmem:s17+$0x9C40]  }
0x25: {  	s19 =	simm.s32 $0x80;
	v1 =	vld [tilespmem:s18+$0x7530]  }
.LBB2_2:
0x26: {  	p0 =	sne.s32 s19, $0x9C00;
	v4 =	vld [tilespmem:s18+$0x4E20];
	_ =	sdelay $0x1  }
0x27: {  	v0 =	vadd.f32 v0, v2;
	_ =	sdelay $0x1  }
0x28: {  	v0 =	vadd.f32 v3, v0;
	_ =	sdelay $0x1  }
0x29: {  	[tilespmem:s17+$0xC350] =	vst v0;
	s17 =	smov.u32 s18  }
.Ltmp0:
0x2a: {  	v0 =	vld.idx.msk [tilespmem:v1+s11+$0x0], $0xffff;
	(pc) =	sbr.rel @p0 .LBB2_2-.Ltmp0, $3  }
0x2b: {  	v2 =	vld.idx.msk [tilespmem:v4+s2+$0x0], $0xffff;
	_ =	sdelay $0x1  }
0x2c: {  	s18 =	sshra.s32 s19, $0x2;
	v3 =	vld [tilespmem:s17+$0x9C40]  }
0x2d: {  	s19 =	sadd.s32 $0x40, s19;
	v1 =	vld [tilespmem:s18+$0x7530]  }
0x2e: {  	_ = 	snop  }
0x2f: {  	v4 =	vld [tilespmem:s18+$0x4E20];
	_ =	sdelay $0x1  }
0x30: {  	v0 =	vadd.f32 v0, v2;
	_ =	sdelay $0x1  }
0x31: {  	v0 =	vadd.f32 v3, v0;
	_ =	sdelay $0x1  }
0x32: {  	[tilespmem:s17+$0xC350] =	vst v0  }
0x33: {  	v0 =	vld.idx.msk [tilespmem:v1+s11+$0x0], $0xffff  }
0x34: {  	v62 =	vld.idx.msk [tilespmem:v4+s2+$0x0], $0xffff;
	_ =	sdelay $0x1  }
0x35: {  	v63 =	vld [tilespmem:s18+$0x9C40];
	_ =	sdelay $0x2  }
0x36: {  	v0 =	vadd.f32 v0, v62;
	_ =	sdelay $0x1  }
0x37: {  	s16 =	sadd.s32 $0x1, s16;
	v0 =	vadd.f32 v63, v0  }
0x38: {  	p0 =	sne.s32 s16, s9  }
.Ltmp1:
0x39: {  	[tilespmem:s18+$0xC350] =	vst v0;
	(pc) =	sbr.rel @p0 .LBB2_1-.Ltmp1, $4  }
0x3a: {  	[hbm4b:s8+s2] =	stream.linear.scatter [tilespmem:s15], [sflag:$0x1], $0x2710, $0x38;
	[tilespmem:$0xEA60] =	vst v63  }
0x3b: {  	_ =	swait.ge [sflag:s10], $0x2710  }
0x3c: {  	[sflag:s10] =	ssyncset.done $0x0  }
0x3d: {  	[sflag:s10] =	ssyncadd.s32 $0xFFFFD8F0  }
0x3e: {  	_ =	sfence.sel $0x180000  }
0x3f: {  	[bflag:$0x0] =	sbarrier.arrive $0xFFFF  }
0x40: {  	p0 =	sne.s32 s0, $0x0;
	_ =	strace $0x90000050  }
0x41: {  	s0 =	sadd.s32 @!p0 $0x100000, s1;
	[bflag:$0x2] =	sbarrier.arrive $0xFFFF  }
0x42: {  	[sflag:s0] =	ssyncadd.tile.s32 @!p0 $0x1;
	_ =	shalt  }
.Lfunc_end2:
_tile_overlayer_lowered:
.L_overlay_start_2:
0x43: {  	(tag) =	ssettag $0x2  }
0x44: {  	s0 =	rddreg [dreg:$0x0];
	s2 =	stileid.u32  }
0x45: {  	s1 =	rddreg [dreg:$0x1];
	p0 =	sne.s32 s2, $0x0  }
0x46: {  	s3 =	rddreg [dreg:$0x2];
	[bflag:$0x3] =	sbarrier.arrive $0xFFFF;
	s2 =	simm.s32 @!p0 $0x1C01  }
0x47: {  	[timem:s3], [sflag:s2] =	dma.local @!p0 [hbm:s0], s1  }
0x48: {  	s0 =	simm.s32 @!p0 $0x1  }
0x49: {  	_ =	swait.ge @!p0 [sflag:s0], s1  }
0x4a: {  	s1 =	ssub.s32 @!p0 $0x0, s1;
	[sflag:s0] =	ssyncset.done @!p0 $0x0  }
0x4b: {  	[sflag:s0] =	ssyncadd.s32 @!p0 s1  }
0x4c: {  	[bflag:$0x3] =	sbarrier.arrive $0xFFFF  }
0x4d: {  	_ =	shalt  }

</sc_bundles>
